<compile_context>
chip_gen: v7x
topology: tpu7x:2x2x1
jax: 0.10.2.dev20260603
libtpu: 0.0.44.dev20260713+nightly
codegen_flags: <defaults>
</compile_context>

<pallas_src>
import math

import jax
import jax.numpy as jnp
from jax import lax
from jax.experimental import pallas as pl
from jax.experimental.pallas import tpu as pltpu
from jax.experimental.pallas import tpu_sc as plsc

DIM = 64
LANES = 16
NC, NS = 2, 16
NW = NC * NS
SUB = 128
NSUB = 1
CHUNK = SUB * NSUB
NGRP = CHUNK // LANES
SCALE = math.sqrt(DIM)


def _gather_start(table_hbm, idx_v, c, idxs, rows, gsem):
    for k in range(NGRP):
        vec = idx_v[pl.ds(c * CHUNK + k * LANES, LANES)]
        j, r = divmod(k, SUB // LANES)
        idxs[j, pl.ds(r * LANES, LANES)] = lax.shift_right_logical(vec, 1)
    for j in range(NSUB):
        pltpu.async_copy(
            table_hbm.at[idxs.at[j]], rows.at[pl.ds(j * SUB, SUB)], gsem
        )


def _gather_wait(table_hbm, rows, gsem):
    pltpu.make_async_copy(table_hbm.at[pl.ds(0, CHUNK)], rows, gsem).wait()


def _extract(idx_v, c, rows, ob):
    lane = lax.iota(jnp.int32, LANES)

    @plsc.parallel_loop(0, CHUNK, step=1, unroll=4)
    def _row(k):
        par = plsc.load_gather(idx_v, [lane * 0 + (c * CHUNK + k)]) & 1
        row_splat = lane * 0 + k
        col0 = par * DIM + lane
        for j in range(DIM // LANES):
            v = plsc.load_gather(rows, [row_splat, col0 + j * LANES])
            ob[k, pl.ds(j * LANES, LANES)] = v * SCALE


def _emb_body(x_hbm, table_hbm, out_hbm, idx_v, idxs0, idxs1,
              rows0, rows1, ob0, ob1, gsem0, gsem1, ssem0, ssem1):
    wid = lax.axis_index("s") * NC + lax.axis_index("c")
    nchunk = out_hbm.shape[1]
    nloop = nchunk // 2

    pltpu.sync_copy(x_hbm.at[wid], idx_v)
    _gather_start(table_hbm, idx_v, 0, idxs0, rows0, gsem0)

    def pair(i, carry):
        c0 = 2 * i

        @pl.when(i > 0)
        def _():
            pltpu.make_async_copy(ob1, out_hbm.at[wid, c0], ssem1).wait()

        _gather_start(table_hbm, idx_v, c0 + 1, idxs1, rows1, gsem1)
        _gather_wait(table_hbm, rows0, gsem0)

        @pl.when(i > 0)
        def _():
            pltpu.make_async_copy(ob0, out_hbm.at[wid, c0], ssem0).wait()

        _extract(idx_v, c0, rows0, ob0)
        pltpu.async_copy(ob0, out_hbm.at[wid, c0], ssem0)

        @pl.when(i < nloop - 1)
        def _():
            _gather_start(table_hbm, idx_v, c0 + 2, idxs0, rows0, gsem0)

        _gather_wait(table_hbm, rows1, gsem1)
        _extract(idx_v, c0 + 1, rows1, ob1)
        pltpu.async_copy(ob1, out_hbm.at[wid, c0 + 1], ssem1)
        return carry

    lax.fori_loop(0, nloop, pair, jnp.int32(0))
    pltpu.make_async_copy(ob0, out_hbm.at[wid, nchunk - 2], ssem0).wait()
    pltpu.make_async_copy(ob1, out_hbm.at[wid, nchunk - 1], ssem1).wait()


@jax.jit
def kernel(x, table):
    b, l = x.shape
    voc, dim = table.shape
    total = b * l
    nchunk = total // (NW * CHUNK)
    xr = x.astype(jnp.int32).reshape(NW, nchunk * CHUNK)
    t2 = table.reshape(voc // 2, 2 * dim)
    mesh = plsc.VectorSubcoreMesh(
        core_axis_name="c", subcore_axis_name="s",
        num_cores=NC, num_subcores=NS,
    )
    out = pl.kernel(
        _emb_body,
        out_type=jax.ShapeDtypeStruct((NW, nchunk, CHUNK, DIM), jnp.float32),
        mesh=mesh,
        compiler_params=pltpu.CompilerParams(needs_layout_passes=False),
        scratch_types=[
            pltpu.VMEM((nchunk * CHUNK,), jnp.int32),
            pltpu.VMEM((NSUB, SUB), jnp.int32),
            pltpu.VMEM((NSUB, SUB), jnp.int32),
            pltpu.VMEM((CHUNK, 2 * DIM), jnp.float32),
            pltpu.VMEM((CHUNK, 2 * DIM), jnp.float32),
            pltpu.VMEM((CHUNK, DIM), jnp.float32),
            pltpu.VMEM((CHUNK, DIM), jnp.float32),
            pltpu.SemaphoreType.DMA,
            pltpu.SemaphoreType.DMA,
            pltpu.SemaphoreType.DMA,
            pltpu.SemaphoreType.DMA,
        ],
    )(xr, t2)
    return out.reshape(b, l, DIM)

# --- scband reference (transcript-rebuilt; emitter-appended) ---
"""Pipeline reference for scband-voc-embedding-33320356283102 (READ-ONLY COPY).

The authoritative reference and input builder live on the scoring server;
editing this copy changes nothing except your own understanding.
"""

import jax, jax.numpy as jnp
import numpy as np
import math

VOC_SIZE = 1000000
DIM = 64
B = 4096
L = 200


def setup_inputs(seed: int = 0) -> dict:
    key = jax.random.key(seed)
    k1, k2 = jax.random.split(key)
    x = jax.random.randint(k1, (B, L), 0, VOC_SIZE, dtype=jnp.int64 if jax.config.jax_enable_x64 else jnp.int32)
    table = jax.random.normal(k2, (VOC_SIZE, DIM), dtype=jnp.float32)
    return {"x": x, "table": table}


def reference(x, table):
    coe = math.sqrt(DIM)
    emb = jnp.take(table, x, axis=0)
    return emb * coe

if __name__ == "__main__":
    import jax
    _d = setup_inputs()
    print(jax.jit(kernel)(*tuple(_d.values())))

</pallas_src>

<mosaic_0001>
#map = affine_map<(d0, d1) -> (0, 0)>
#map1 = affine_map<(d0, d1) -> (0, 0, 0, 0)>
module attributes {stable_mosaic.version = 14 : i64} {
  func.func @_emb_body(%arg0: i32, %arg1: i32, %arg2: memref<32x25600xi32, #tpu.memory_space<hbm>>, %arg3: memref<500000x128xf32, #tpu.memory_space<hbm>>, %arg4: memref<32x200x128x64xf32, #tpu.memory_space<hbm>>, %arg5: memref<25600xi32, #tpu.memory_space<vmem>>, %arg6: memref<1x128xi32, #tpu.memory_space<vmem>>, %arg7: memref<1x128xi32, #tpu.memory_space<vmem>>, %arg8: memref<128x128xf32, #tpu.memory_space<vmem>>, %arg9: memref<128x128xf32, #tpu.memory_space<vmem>>, %arg10: memref<128x64xf32, #tpu.memory_space<vmem>>, %arg11: memref<128x64xf32, #tpu.memory_space<vmem>>, %arg12: memref<!tpu.dma_semaphore, #tpu.memory_space<semaphore_mem>>, %arg13: memref<!tpu.dma_semaphore, #tpu.memory_space<semaphore_mem>>, %arg14: memref<!tpu.dma_semaphore, #tpu.memory_space<semaphore_mem>>, %arg15: memref<!tpu.dma_semaphore, #tpu.memory_space<semaphore_mem>>) attributes {dimension_semantics = [#tpu.dimension_semantics<core_parallel>, #tpu.dimension_semantics<subcore_parallel>], iteration_bounds = array<i64: 2, 16>, scalar_prefetch = 0 : i64, scratch_operands = 11 : i64, tpu.core_type = #tpu.core_type<sc_vector_subcore>, window_params = [{transform_indices = #map}, {transform_indices = #map}, {transform_indices = #map1}]} {
    %mul3A = arith.constant 2 : i32
    %mul3A_0 = arith.muli %arg1, %mul3A : i32
    %add3A = arith.addi %mul3A_0, %arg0 : i32
    "tpu.region"() ({
      %run_scoped3A = tpu.sem_alloc : memref<!tpu.dma_semaphore, #tpu.memory_space<semaphore_mem>>
      %dma_start3A_101 = arith.constant 0 : i32
      %dma_start3A_102 = tpu.memref_slice %arg2[%add3A, %dma_start3A_101] : memref<32x25600xi32, #tpu.memory_space<hbm>> -> memref<1x25600xi32, #tpu.memory_space<hbm>>
      %dma_start3A_103 = tpu.memref_squeeze %dma_start3A_102 : memref<1x25600xi32, #tpu.memory_space<hbm>> -> memref<25600xi32, #tpu.memory_space<hbm>>
      %dma_start3A_104 = arith.constant 0 : i32
      %dma_start3A_105 = tpu.memref_slice %arg2[%add3A, %dma_start3A_104] : memref<32x25600xi32, #tpu.memory_space<hbm>> -> memref<1x25600xi32, #tpu.memory_space<hbm>>
      %dma_start3A_106 = tpu.memref_squeeze %dma_start3A_105 : memref<1x25600xi32, #tpu.memory_space<hbm>> -> memref<25600xi32, #tpu.memory_space<hbm>>
      tpu.enqueue_dma source(%dma_start3A_106 : memref<25600xi32, #tpu.memory_space<hbm>>) target(%arg5 : memref<25600xi32, #tpu.memory_space<vmem>>) target_semaphore(%run_scoped3A : memref<!tpu.dma_semaphore, #tpu.memory_space<semaphore_mem>>)
      %dma_wait3A_107 = arith.constant 0 : i32
      %dma_wait3A_108 = tpu.memref_slice %arg2[%add3A, %dma_wait3A_107] : memref<32x25600xi32, #tpu.memory_space<hbm>> -> memref<1x25600xi32, #tpu.memory_space<hbm>>
      %dma_wait3A_109 = tpu.memref_squeeze %dma_wait3A_108 : memref<1x25600xi32, #tpu.memory_space<hbm>> -> memref<25600xi32, #tpu.memory_space<hbm>>
      %dma_wait3A_110 = arith.constant 0 : i32
      %dma_wait3A_111 = tpu.memref_slice %arg2[%add3A, %dma_wait3A_110] : memref<32x25600xi32, #tpu.memory_space<hbm>> -> memref<1x25600xi32, #tpu.memory_space<hbm>>
      %dma_wait3A_112 = tpu.memref_squeeze %dma_wait3A_111 : memref<1x25600xi32, #tpu.memory_space<hbm>> -> memref<25600xi32, #tpu.memory_space<hbm>>
      tpu.wait_dma2 semaphore(%run_scoped3A : memref<!tpu.dma_semaphore, #tpu.memory_space<semaphore_mem>>) src(%dma_wait3A_112 : memref<25600xi32, #tpu.memory_space<hbm>>) dst(%arg5 : memref<25600xi32, #tpu.memory_space<vmem>>)
      tpu.yield
    }) : () -> ()
    %get3A = arith.constant 0 : index
    %get3A_1 = tpu.vector_load %arg5[%get3A] {strides = array<i32>} : memref<25600xi32, #tpu.memory_space<vmem>>, vector<16xi32>,
    %shift_right_logical3A = arith.constant 1 : i32
    %shift_right_logical3A_2 = vector.broadcast %shift_right_logical3A : i32 to vector<16xi32>
    %shift_right_logical3A_3 = arith.shrui %get3A_1, %shift_right_logical3A_2 : vector<16xi32>
    %swap3A = arith.constant 0 : i32
    %swap3A_4 = arith.index_cast %swap3A : i32 to index
    %swap3A_5 = arith.constant 0 : index
    %swap3A_6 = tpu.vector_load %arg6[%swap3A_4, %swap3A_5] {strides = array<i32>} : memref<1x128xi32, #tpu.memory_space<vmem>>, vector<16xi32>,
    tpu.vector_store %arg6[%swap3A_4, %swap3A_5], %shift_right_logical3A_3 {strides = array<i32>} : memref<1x128xi32, #tpu.memory_space<vmem>>, vector<16xi32>,
    %get3A_7 = arith.constant 16 : index
    %get3A_8 = tpu.vector_load %arg5[%get3A_7] {strides = array<i32>} : memref<25600xi32, #tpu.memory_space<vmem>>, vector<16xi32>,
    %shift_right_logical3A_9 = arith.constant 1 : i32
    %shift_right_logical3A_10 = vector.broadcast %shift_right_logical3A_9 : i32 to vector<16xi32>
    %shift_right_logical3A_11 = arith.shrui %get3A_8, %shift_right_logical3A_10 : vector<16xi32>
    %swap3A_12 = arith.constant 0 : i32
    %swap3A_13 = arith.index_cast %swap3A_12 : i32 to index
    %swap3A_14 = arith.constant 16 : index
    %swap3A_15 = tpu.vector_load %arg6[%swap3A_13, %swap3A_14] {strides = array<i32>} : memref<1x128xi32, #tpu.memory_space<vmem>>, vector<16xi32>,
    tpu.vector_store %arg6[%swap3A_13, %swap3A_14], %shift_right_logical3A_11 {strides = array<i32>} : memref<1x128xi32, #tpu.memory_space<vmem>>, vector<16xi32>,
    %get3A_16 = arith.constant 32 : index
    %get3A_17 = tpu.vector_load %arg5[%get3A_16] {strides = array<i32>} : memref<25600xi32, #tpu.memory_space<vmem>>, vector<16xi32>,
    %shift_right_logical3A_18 = arith.constant 1 : i32
    %shift_right_logical3A_19 = vector.broadcast %shift_right_logical3A_18 : i32 to vector<16xi32>
    %shift_right_logical3A_20 = arith.shrui %get3A_17, %shift_right_logical3A_19 : vector<16xi32>
    %swap3A_21 = arith.constant 0 : i32
    %swap3A_22 = arith.index_cast %swap3A_21 : i32 to index
    %swap3A_23 = arith.constant 32 : index
    %swap3A_24 = tpu.vector_load %arg6[%swap3A_22, %swap3A_23] {strides = array<i32>} : memref<1x128xi32, #tpu.memory_space<vmem>>, vector<16xi32>,
    tpu.vector_store %arg6[%swap3A_22, %swap3A_23], %shift_right_logical3A_20 {strides = array<i32>} : memref<1x128xi32, #tpu.memory_space<vmem>>, vector<16xi32>,
    %get3A_25 = arith.constant 48 : index
    %get3A_26 = tpu.vector_load %arg5[%get3A_25] {strides = array<i32>} : memref<25600xi32, #tpu.memory_space<vmem>>, vector<16xi32>,
    %shift_right_logical3A_27 = arith.constant 1 : i32
    %shift_right_logical3A_28 = vector.broadcast %shift_right_logical3A_27 : i32 to vector<16xi32>
    %shift_right_logical3A_29 = arith.shrui %get3A_26, %shift_right_logical3A_28 : vector<16xi32>
    %swap3A_30 = arith.constant 0 : i32
    %swap3A_31 = arith.index_cast %swap3A_30 : i32 to index
    %swap3A_32 = arith.constant 48 : index
    %swap3A_33 = tpu.vector_load %arg6[%swap3A_31, %swap3A_32] {strides = array<i32>} : memref<1x128xi32, #tpu.memory_space<vmem>>, vector<16xi32>,
    tpu.vector_store %arg6[%swap3A_31, %swap3A_32], %shift_right_logical3A_29 {strides = array<i32>} : memref<1x128xi32, #tpu.memory_space<vmem>>, vector<16xi32>,
    %get3A_34 = arith.constant 64 : index
    %get3A_35 = tpu.vector_load %arg5[%get3A_34] {strides = array<i32>} : memref<25600xi32, #tpu.memory_space<vmem>>, vector<16xi32>,
    %shift_right_logical3A_36 = arith.constant 1 : i32
    %shift_right_logical3A_37 = vector.broadcast %shift_right_logical3A_36 : i32 to vector<16xi32>
    %shift_right_logical3A_38 = arith.shrui %get3A_35, %shift_right_logical3A_37 : vector<16xi32>
    %swap3A_39 = arith.constant 0 : i32
    %swap3A_40 = arith.index_cast %swap3A_39 : i32 to index
    %swap3A_41 = arith.constant 64 : index
    %swap3A_42 = tpu.vector_load %arg6[%swap3A_40, %swap3A_41] {strides = array<i32>} : memref<1x128xi32, #tpu.memory_space<vmem>>, vector<16xi32>,
    tpu.vector_store %arg6[%swap3A_40, %swap3A_41], %shift_right_logical3A_38 {strides = array<i32>} : memref<1x128xi32, #tpu.memory_space<vmem>>, vector<16xi32>,
    %get3A_43 = arith.constant 80 : index
    %get3A_44 = tpu.vector_load %arg5[%get3A_43] {strides = array<i32>} : memref<25600xi32, #tpu.memory_space<vmem>>, vector<16xi32>,
    %shift_right_logical3A_45 = arith.constant 1 : i32
    %shift_right_logical3A_46 = vector.broadcast %shift_right_logical3A_45 : i32 to vector<16xi32>
    %shift_right_logical3A_47 = arith.shrui %get3A_44, %shift_right_logical3A_46 : vector<16xi32>
    %swap3A_48 = arith.constant 0 : i32
    %swap3A_49 = arith.index_cast %swap3A_48 : i32 to index
    %swap3A_50 = arith.constant 80 : index
    %swap3A_51 = tpu.vector_load %arg6[%swap3A_49, %swap3A_50] {strides = array<i32>} : memref<1x128xi32, #tpu.memory_space<vmem>>, vector<16xi32>,
    tpu.vector_store %arg6[%swap3A_49, %swap3A_50], %shift_right_logical3A_47 {strides = array<i32>} : memref<1x128xi32, #tpu.memory_space<vmem>>, vector<16xi32>,
    %get3A_52 = arith.constant 96 : index
    %get3A_53 = tpu.vector_load %arg5[%get3A_52] {strides = array<i32>} : memref<25600xi32, #tpu.memory_space<vmem>>, vector<16xi32>,
    %shift_right_logical3A_54 = arith.constant 1 : i32
    %shift_right_logical3A_55 = vector.broadcast %shift_right_logical3A_54 : i32 to vector<16xi32>
    %shift_right_logical3A_56 = arith.shrui %get3A_53, %shift_right_logical3A_55 : vector<16xi32>
    %swap3A_57 = arith.constant 0 : i32
    %swap3A_58 = arith.index_cast %swap3A_57 : i32 to index
    %swap3A_59 = arith.constant 96 : index
    %swap3A_60 = tpu.vector_load %arg6[%swap3A_58, %swap3A_59] {strides = array<i32>} : memref<1x128xi32, #tpu.memory_space<vmem>>, vector<16xi32>,
    tpu.vector_store %arg6[%swap3A_58, %swap3A_59], %shift_right_logical3A_56 {strides = array<i32>} : memref<1x128xi32, #tpu.memory_space<vmem>>, vector<16xi32>,
    %get3A_61 = arith.constant 112 : index
    %get3A_62 = tpu.vector_load %arg5[%get3A_61] {strides = array<i32>} : memref<25600xi32, #tpu.memory_space<vmem>>, vector<16xi32>,
    %shift_right_logical3A_63 = arith.constant 1 : i32
    %shift_right_logical3A_64 = vector.broadcast %shift_right_logical3A_63 : i32 to vector<16xi32>
    %shift_right_logical3A_65 = arith.shrui %get3A_62, %shift_right_logical3A_64 : vector<16xi32>
    %swap3A_66 = arith.constant 0 : i32
    %swap3A_67 = arith.index_cast %swap3A_66 : i32 to index
    %swap3A_68 = arith.constant 112 : index
    %swap3A_69 = tpu.vector_load %arg6[%swap3A_67, %swap3A_68] {strides = array<i32>} : memref<1x128xi32, #tpu.memory_space<vmem>>, vector<16xi32>,
    tpu.vector_store %arg6[%swap3A_67, %swap3A_68], %shift_right_logical3A_65 {strides = array<i32>} : memref<1x128xi32, #tpu.memory_space<vmem>>, vector<16xi32>,
    %dma_start3A = arith.constant 0 : i32
    %dma_start3A_70 = arith.constant 0 : i32
    %dma_start3A_71 = arith.constant 0 : i32
    %dma_start3A_72 = tpu.memref_slice %arg8[%dma_start3A_70, %dma_start3A_71] : memref<128x128xf32, #tpu.memory_space<vmem>> -> memref<128x128xf32, #tpu.memory_space<vmem>>
    %dma_start3A_73 = arith.constant 0 : i32
    %dma_start3A_74 = tpu.memref_slice %arg6[%dma_start3A, %dma_start3A_73] : memref<1x128xi32, #tpu.memory_space<vmem>> -> memref<1x128xi32, #tpu.memory_space<vmem>>
    %dma_start3A_75 = tpu.memref_squeeze %dma_start3A_74 : memref<1x128xi32, #tpu.memory_space<vmem>> -> memref<128xi32, #tpu.memory_space<vmem>>
    %dma_start3A_76 = arith.constant 0 : i32
    %dma_start3A_77 = arith.constant 0 : i32
    %dma_start3A_78 = tpu.memref_slice %arg3[%dma_start3A_76, %dma_start3A_77] : memref<500000x128xf32, #tpu.memory_space<hbm>> -> memref<500000x128xf32, #tpu.memory_space<hbm>>
    tpu.enqueue_indirect_dma source(%dma_start3A_78 : memref<500000x128xf32, #tpu.memory_space<hbm>>) target(%dma_start3A_72 : memref<128x128xf32, #tpu.memory_space<vmem>>) offsets(%dma_start3A_75 : memref<128xi32, #tpu.memory_space<vmem>>) semaphore(%arg12 : memref<!tpu.dma_semaphore, #tpu.memory_space<semaphore_mem>>)
    %scan3A = arith.constant 0 : i32
    %scan3A_79 = arith.constant 0 : i32
    %scan3A_80 = arith.constant 100 : i32
    %scan3A_81 = arith.addi %scan3A_79, %scan3A_80 : i32
    %scan3A_82 = arith.constant 1 : i32
    scf.for %scan3A_101 = %scan3A_79 to %scan3A_81 step %scan3A_82  : i32 {
      %mul3A_102 = arith.constant 2 : i32
      %mul3A_103 = arith.muli %mul3A_102, %scan3A_101 : i32
      %gt3A = arith.constant 0 : i32
      %gt3A_104 = arith.cmpi sgt, %scan3A_101, %gt3A : i32
      %convert_element_type3A = arith.extui %gt3A_104 : i1 to i32
      %cond3A = arith.constant 0 : i32
      %cond3A_105 = arith.cmpi ne, %convert_element_type3A, %cond3A : i32
      scf.if %cond3A_105 {
        %dma_wait3A_269 = arith.constant 0 : i32
        %dma_wait3A_270 = arith.constant 0 : i32
        %dma_wait3A_271 = tpu.memref_slice %arg4[%add3A, %mul3A_103, %dma_wait3A_269, %dma_wait3A_270] : memref<32x200x128x64xf32, #tpu.memory_space<hbm>> -> memref<1x1x128x64xf32, #tpu.memory_space<hbm>>
        %dma_wait3A_272 = tpu.memref_squeeze %dma_wait3A_271 : memref<1x1x128x64xf32, #tpu.memory_space<hbm>> -> memref<128x64xf32, #tpu.memory_space<hbm>>
        %dma_wait3A_273 = arith.constant 0 : i32
        %dma_wait3A_274 = arith.constant 0 : i32
        %dma_wait3A_275 = tpu.memref_slice %arg4[%add3A, %mul3A_103, %dma_wait3A_273, %dma_wait3A_274] : memref<32x200x128x64xf32, #tpu.memory_space<hbm>> -> memref<1x1x128x64xf32, #tpu.memory_space<hbm>>
        %dma_wait3A_276 = tpu.memref_squeeze %dma_wait3A_275 : memref<1x1x128x64xf32, #tpu.memory_space<hbm>> -> memref<128x64xf32, #tpu.memory_space<hbm>>
        tpu.wait_dma2 semaphore(%arg15 : memref<!tpu.dma_semaphore, #tpu.memory_space<semaphore_mem>>) src(%arg11 : memref<128x64xf32, #tpu.memory_space<vmem>>) dst(%dma_wait3A_276 : memref<128x64xf32, #tpu.memory_space<hbm>>)
      } else {
      }
      %add3A_106 = arith.constant 1 : i32
      %add3A_107 = arith.addi %mul3A_103, %add3A_106 : i32
      %mul3A_108 = arith.constant 128 : i32
      %mul3A_109 = arith.muli %add3A_107, %mul3A_108 : i32
      %add3A_110 = arith.constant 0 : i32
      %add3A_111 = arith.addi %mul3A_109, %add3A_110 : i32
      %get3A_112 = arith.index_cast %add3A_111 : i32 to index
      %get3A_113 = tpu.vector_load %arg5[%get3A_112] {strides = array<i32>} : memref<25600xi32, #tpu.memory_space<vmem>>, vector<16xi32>,
      %shift_right_logical3A_114 = arith.constant 1 : i32
      %shift_right_logical3A_115 = vector.broadcast %shift_right_logical3A_114 : i32 to vector<16xi32>
      %shift_right_logical3A_116 = arith.shrui %get3A_113, %shift_right_logical3A_115 : vector<16xi32>
      %swap3A_117 = arith.constant 0 : i32
      %swap3A_118 = arith.index_cast %swap3A_117 : i32 to index
      %swap3A_119 = arith.constant 0 : index
      %swap3A_120 = tpu.vector_load %arg7[%swap3A_118, %swap3A_119] {strides = array<i32>} : memref<1x128xi32, #tpu.memory_space<vmem>>, vector<16xi32>,
      tpu.vector_store %arg7[%swap3A_118, %swap3A_119], %shift_right_logical3A_116 {strides = array<i32>} : memref<1x128xi32, #tpu.memory_space<vmem>>, vector<16xi32>,
      %mul3A_121 = arith.constant 128 : i32
      %mul3A_122 = arith.muli %add3A_107, %mul3A_121 : i32
      %add3A_123 = arith.constant 16 : i32
      %add3A_124 = arith.addi %mul3A_122, %add3A_123 : i32
      %get3A_125 = arith.index_cast %add3A_124 : i32 to index
      %get3A_126 = tpu.vector_load %arg5[%get3A_125] {strides = array<i32>} : memref<25600xi32, #tpu.memory_space<vmem>>, vector<16xi32>,
      %shift_right_logical3A_127 = arith.constant 1 : i32
      %shift_right_logical3A_128 = vector.broadcast %shift_right_logical3A_127 : i32 to vector<16xi32>
      %shift_right_logical3A_129 = arith.shrui %get3A_126, %shift_right_logical3A_128 : vector<16xi32>
      %swap3A_130 = arith.constant 0 : i32
      %swap3A_131 = arith.index_cast %swap3A_130 : i32 to index
      %swap3A_132 = arith.constant 16 : index
      %swap3A_133 = tpu.vector_load %arg7[%swap3A_131, %swap3A_132] {strides = array<i32>} : memref<1x128xi32, #tpu.memory_space<vmem>>, vector<16xi32>,
      tpu.vector_store %arg7[%swap3A_131, %swap3A_132], %shift_right_logical3A_129 {strides = array<i32>} : memref<1x128xi32, #tpu.memory_space<vmem>>, vector<16xi32>,
      %mul3A_134 = arith.constant 128 : i32
      %mul3A_135 = arith.muli %add3A_107, %mul3A_134 : i32
      %add3A_136 = arith.constant 32 : i32
      %add3A_137 = arith.addi %mul3A_135, %add3A_136 : i32
      %get3A_138 = arith.index_cast %add3A_137 : i32 to index
      %get3A_139 = tpu.vector_load %arg5[%get3A_138] {strides = array<i32>} : memref<25600xi32, #tpu.memory_space<vmem>>, vector<16xi32>,
      %shift_right_logical3A_140 = arith.constant 1 : i32
      %shift_right_logical3A_141 = vector.broadcast %shift_right_logical3A_140 : i32 to vector<16xi32>
      %shift_right_logical3A_142 = arith.shrui %get3A_139, %shift_right_logical3A_141 : vector<16xi32>
      %swap3A_143 = arith.constant 0 : i32
      %swap3A_144 = arith.index_cast %swap3A_143 : i32 to index
      %swap3A_145 = arith.constant 32 : index
      %swap3A_146 = tpu.vector_load %arg7[%swap3A_144, %swap3A_145] {strides = array<i32>} : memref<1x128xi32, #tpu.memory_space<vmem>>, vector<16xi32>,
      tpu.vector_store %arg7[%swap3A_144, %swap3A_145], %shift_right_logical3A_142 {strides = array<i32>} : memref<1x128xi32, #tpu.memory_space<vmem>>, vector<16xi32>,
      %mul3A_147 = arith.constant 128 : i32
      %mul3A_148 = arith.muli %add3A_107, %mul3A_147 : i32
      %add3A_149 = arith.constant 48 : i32
      %add3A_150 = arith.addi %mul3A_148, %add3A_149 : i32
      %get3A_151 = arith.index_cast %add3A_150 : i32 to index
      %get3A_152 = tpu.vector_load %arg5[%get3A_151] {strides = array<i32>} : memref<25600xi32, #tpu.memory_space<vmem>>, vector<16xi32>,
      %shift_right_logical3A_153 = arith.constant 1 : i32
      %shift_right_logical3A_154 = vector.broadcast %shift_right_logical3A_153 : i32 to vector<16xi32>
      %shift_right_logical3A_155 = arith.shrui %get3A_152, %shift_right_logical3A_154 : vector<16xi32>
      %swap3A_156 = arith.constant 0 : i32
      %swap3A_157 = arith.index_cast %swap3A_156 : i32 to index
      %swap3A_158 = arith.constant 48 : index
      %swap3A_159 = tpu.vector_load %arg7[%swap3A_157, %swap3A_158] {strides = array<i32>} : memref<1x128xi32, #tpu.memory_space<vmem>>, vector<16xi32>,
      tpu.vector_store %arg7[%swap3A_157, %swap3A_158], %shift_right_logical3A_155 {strides = array<i32>} : memref<1x128xi32, #tpu.memory_space<vmem>>, vector<16xi32>,
      %mul3A_160 = arith.constant 128 : i32
      %mul3A_161 = arith.muli %add3A_107, %mul3A_160 : i32
      %add3A_162 = arith.constant 64 : i32
      %add3A_163 = arith.addi %mul3A_161, %add3A_162 : i32
      %get3A_164 = arith.index_cast %add3A_163 : i32 to index
      %get3A_165 = tpu.vector_load %arg5[%get3A_164] {strides = array<i32>} : memref<25600xi32, #tpu.memory_space<vmem>>, vector<16xi32>,
      %shift_right_logical3A_166 = arith.constant 1 : i32
      %shift_right_logical3A_167 = vector.broadcast %shift_right_logical3A_166 : i32 to vector<16xi32>
      %shift_right_logical3A_168 = arith.shrui %get3A_165, %shift_right_logical3A_167 : vector<16xi32>
      %swap3A_169 = arith.constant 0 : i32
      %swap3A_170 = arith.index_cast %swap3A_169 : i32 to index
      %swap3A_171 = arith.constant 64 : index
      %swap3A_172 = tpu.vector_load %arg7[%swap3A_170, %swap3A_171] {strides = array<i32>} : memref<1x128xi32, #tpu.memory_space<vmem>>, vector<16xi32>,
      tpu.vector_store %arg7[%swap3A_170, %swap3A_171], %shift_right_logical3A_168 {strides = array<i32>} : memref<1x128xi32, #tpu.memory_space<vmem>>, vector<16xi32>,
      %mul3A_173 = arith.constant 128 : i32
      %mul3A_174 = arith.muli %add3A_107, %mul3A_173 : i32
      %add3A_175 = arith.constant 80 : i32
      %add3A_176 = arith.addi %mul3A_174, %add3A_175 : i32
      %get3A_177 = arith.index_cast %add3A_176 : i32 to index
      %get3A_178 = tpu.vector_load %arg5[%get3A_177] {strides = array<i32>} : memref<25600xi32, #tpu.memory_space<vmem>>, vector<16xi32>,
      %shift_right_logical3A_179 = arith.constant 1 : i32
      %shift_right_logical3A_180 = vector.broadcast %shift_right_logical3A_179 : i32 to vector<16xi32>
      %shift_right_logical3A_181 = arith.shrui %get3A_178, %shift_right_logical3A_180 : vector<16xi32>
      %swap3A_182 = arith.constant 0 : i32
      %swap3A_183 = arith.index_cast %swap3A_182 : i32 to index
      %swap3A_184 = arith.constant 80 : index
      %swap3A_185 = tpu.vector_load %arg7[%swap3A_183, %swap3A_184] {strides = array<i32>} : memref<1x128xi32, #tpu.memory_space<vmem>>, vector<16xi32>,
      tpu.vector_store %arg7[%swap3A_183, %swap3A_184], %shift_right_logical3A_181 {strides = array<i32>} : memref<1x128xi32, #tpu.memory_space<vmem>>, vector<16xi32>,
      %mul3A_186 = arith.constant 128 : i32
      %mul3A_187 = arith.muli %add3A_107, %mul3A_186 : i32
      %add3A_188 = arith.constant 96 : i32
      %add3A_189 = arith.addi %mul3A_187, %add3A_188 : i32
      %get3A_190 = arith.index_cast %add3A_189 : i32 to index
      %get3A_191 = tpu.vector_load %arg5[%get3A_190] {strides = array<i32>} : memref<25600xi32, #tpu.memory_space<vmem>>, vector<16xi32>,
      %shift_right_logical3A_192 = arith.constant 1 : i32
      %shift_right_logical3A_193 = vector.broadcast %shift_right_logical3A_192 : i32 to vector<16xi32>
      %shift_right_logical3A_194 = arith.shrui %get3A_191, %shift_right_logical3A_193 : vector<16xi32>
      %swap3A_195 = arith.constant 0 : i32
      %swap3A_196 = arith.index_cast %swap3A_195 : i32 to index
      %swap3A_197 = arith.constant 96 : index
      %swap3A_198 = tpu.vector_load %arg7[%swap3A_196, %swap3A_197] {strides = array<i32>} : memref<1x128xi32, #tpu.memory_space<vmem>>, vector<16xi32>,
      tpu.vector_store %arg7[%swap3A_196, %swap3A_197], %shift_right_logical3A_194 {strides = array<i32>} : memref<1x128xi32, #tpu.memory_space<vmem>>, vector<16xi32>,
      %mul3A_199 = arith.constant 128 : i32
      %mul3A_200 = arith.muli %add3A_107, %mul3A_199 : i32
      %add3A_201 = arith.constant 112 : i32
      %add3A_202 = arith.addi %mul3A_200, %add3A_201 : i32
      %get3A_203 = arith.index_cast %add3A_202 : i32 to index
      %get3A_204 = tpu.vector_load %arg5[%get3A_203] {strides = array<i32>} : memref<25600xi32, #tpu.memory_space<vmem>>, vector<16xi32>,
      %shift_right_logical3A_205 = arith.constant 1 : i32
      %shift_right_logical3A_206 = vector.broadcast %shift_right_logical3A_205 : i32 to vector<16xi32>
      %shift_right_logical3A_207 = arith.shrui %get3A_204, %shift_right_logical3A_206 : vector<16xi32>
      %swap3A_208 = arith.constant 0 : i32
      %swap3A_209 = arith.index_cast %swap3A_208 : i32 to index
      %swap3A_210 = arith.constant 112 : index
      %swap3A_211 = tpu.vector_load %arg7[%swap3A_209, %swap3A_210] {strides = array<i32>} : memref<1x128xi32, #tpu.memory_space<vmem>>, vector<16xi32>,
      tpu.vector_store %arg7[%swap3A_209, %swap3A_210], %shift_right_logical3A_207 {strides = array<i32>} : memref<1x128xi32, #tpu.memory_space<vmem>>, vector<16xi32>,
      %dma_start3A_212 = arith.constant 0 : i32
      %dma_start3A_213 = arith.constant 0 : i32
      %dma_start3A_214 = arith.constant 0 : i32
      %dma_start3A_215 = tpu.memref_slice %arg9[%dma_start3A_213, %dma_start3A_214] : memref<128x128xf32, #tpu.memory_space<vmem>> -> memref<128x128xf32, #tpu.memory_space<vmem>>
      %dma_start3A_216 = arith.constant 0 : i32
      %dma_start3A_217 = tpu.memref_slice %arg7[%dma_start3A_212, %dma_start3A_216] : memref<1x128xi32, #tpu.memory_space<vmem>> -> memref<1x128xi32, #tpu.memory_space<vmem>>
      %dma_start3A_218 = tpu.memref_squeeze %dma_start3A_217 : memref<1x128xi32, #tpu.memory_space<vmem>> -> memref<128xi32, #tpu.memory_space<vmem>>
      %dma_start3A_219 = arith.constant 0 : i32
      %dma_start3A_220 = arith.constant 0 : i32
      %dma_start3A_221 = tpu.memref_slice %arg3[%dma_start3A_219, %dma_start3A_220] : memref<500000x128xf32, #tpu.memory_space<hbm>> -> memref<500000x128xf32, #tpu.memory_space<hbm>>
      tpu.enqueue_indirect_dma source(%dma_start3A_221 : memref<500000x128xf32, #tpu.memory_space<hbm>>) target(%dma_start3A_215 : memref<128x128xf32, #tpu.memory_space<vmem>>) offsets(%dma_start3A_218 : memref<128xi32, #tpu.memory_space<vmem>>) semaphore(%arg13 : memref<!tpu.dma_semaphore, #tpu.memory_space<semaphore_mem>>)
      %dma_wait3A_222 = arith.constant 0 : i32
      %dma_wait3A_223 = arith.constant 0 : i32
      %dma_wait3A_224 = tpu.memref_slice %arg3[%dma_wait3A_222, %dma_wait3A_223] : memref<500000x128xf32, #tpu.memory_space<hbm>> -> memref<128x128xf32, #tpu.memory_space<hbm>>
      %dma_wait3A_225 = arith.constant 0 : i32
      %dma_wait3A_226 = arith.constant 0 : i32
      %dma_wait3A_227 = tpu.memref_slice %arg3[%dma_wait3A_225, %dma_wait3A_226] : memref<500000x128xf32, #tpu.memory_space<hbm>> -> memref<128x128xf32, #tpu.memory_space<hbm>>
      tpu.wait_dma2 semaphore(%arg12 : memref<!tpu.dma_semaphore, #tpu.memory_space<semaphore_mem>>) src(%dma_wait3A_227 : memref<128x128xf32, #tpu.memory_space<hbm>>) dst(%arg8 : memref<128x128xf32, #tpu.memory_space<vmem>>)
      %gt3A_228 = arith.constant 0 : i32
      %gt3A_229 = arith.cmpi sgt, %scan3A_101, %gt3A_228 : i32
      %convert_element_type3A_230 = arith.extui %gt3A_229 : i1 to i32
      %cond3A_231 = arith.constant 0 : i32
      %cond3A_232 = arith.cmpi ne, %convert_element_type3A_230, %cond3A_231 : i32
      scf.if %cond3A_232 {
        %dma_wait3A_269 = arith.constant 0 : i32
        %dma_wait3A_270 = arith.constant 0 : i32
        %dma_wait3A_271 = tpu.memref_slice %arg4[%add3A, %mul3A_103, %dma_wait3A_269, %dma_wait3A_270] : memref<32x200x128x64xf32, #tpu.memory_space<hbm>> -> memref<1x1x128x64xf32, #tpu.memory_space<hbm>>
        %dma_wait3A_272 = tpu.memref_squeeze %dma_wait3A_271 : memref<1x1x128x64xf32, #tpu.memory_space<hbm>> -> memref<128x64xf32, #tpu.memory_space<hbm>>
        %dma_wait3A_273 = arith.constant 0 : i32
        %dma_wait3A_274 = arith.constant 0 : i32
        %dma_wait3A_275 = tpu.memref_slice %arg4[%add3A, %mul3A_103, %dma_wait3A_273, %dma_wait3A_274] : memref<32x200x128x64xf32, #tpu.memory_space<hbm>> -> memref<1x1x128x64xf32, #tpu.memory_space<hbm>>
        %dma_wait3A_276 = tpu.memref_squeeze %dma_wait3A_275 : memref<1x1x128x64xf32, #tpu.memory_space<hbm>> -> memref<128x64xf32, #tpu.memory_space<hbm>>
        tpu.wait_dma2 semaphore(%arg14 : memref<!tpu.dma_semaphore, #tpu.memory_space<semaphore_mem>>) src(%arg10 : memref<128x64xf32, #tpu.memory_space<vmem>>) dst(%dma_wait3A_276 : memref<128x64xf32, #tpu.memory_space<hbm>>)
      } else {
      }
      %iota3A = tpu.iota {dimensions = array<i32: 0>} : vector<16xi32>
      %parallel_loop3A = arith.constant 0 : i32
      %parallel_loop3A_233 = arith.constant 128 : i32
      %parallel_loop3A_234 = arith.constant 1 : i32
      scf.for %parallel_loop3A_269 = %parallel_loop3A to %parallel_loop3A_233 step %parallel_loop3A_234  : i32 {
        %parallel_loop3A_270 = arith.constant 0 : i32
        %parallel_loop3A_271 = vector.broadcast %parallel_loop3A_270 : i32 to vector<16xi32>
        %parallel_loop3A_272 = arith.muli %iota3A, %parallel_loop3A_271 : vector<16xi32>
        %parallel_loop3A_273 = arith.constant 128 : i32
        %parallel_loop3A_274 = arith.muli %mul3A_103, %parallel_loop3A_273 : i32
        %parallel_loop3A_275 = arith.addi %parallel_loop3A_274, %parallel_loop3A_269 : i32
        %parallel_loop3A_276 = vector.broadcast %parallel_loop3A_275 : i32 to vector<16xi32>
        %parallel_loop3A_277 = arith.addi %parallel_loop3A_272, %parallel_loop3A_276 : vector<16xi32>
        %parallel_loop3A_278 = tpu.vector_load_idx %arg5[%parallel_loop3A_277] : memref<25600xi32, #tpu.memory_space<vmem>>[vector<16xi32>], vector<16xi32>,
        %parallel_loop3A_279 = arith.constant 1 : i32
        %parallel_loop3A_280 = vector.broadcast %parallel_loop3A_279 : i32 to vector<16xi32>
        %parallel_loop3A_281 = arith.andi %parallel_loop3A_278, %parallel_loop3A_280 : vector<16xi32>
        %parallel_loop3A_282 = arith.constant 0 : i32
        %parallel_loop3A_283 = vector.broadcast %parallel_loop3A_282 : i32 to vector<16xi32>
        %parallel_loop3A_284 = arith.muli %iota3A, %parallel_loop3A_283 : vector<16xi32>
        %parallel_loop3A_285 = vector.broadcast %parallel_loop3A_269 : i32 to vector<16xi32>
        %parallel_loop3A_286 = arith.addi %parallel_loop3A_284, %parallel_loop3A_285 : vector<16xi32>
        %parallel_loop3A_287 = arith.constant 64 : i32
        %parallel_loop3A_288 = vector.broadcast %parallel_loop3A_287 : i32 to vector<16xi32>
        %parallel_loop3A_289 = arith.muli %parallel_loop3A_281, %parallel_loop3A_288 : vector<16xi32>
        %parallel_loop3A_290 = arith.addi %parallel_loop3A_289, %iota3A : vector<16xi32>
        %parallel_loop3A_291 = arith.constant 0 : i32
        %parallel_loop3A_292 = vector.broadcast %parallel_loop3A_291 : i32 to vector<16xi32>
        %parallel_loop3A_293 = arith.addi %parallel_loop3A_290, %parallel_loop3A_292 : vector<16xi32>
        %parallel_loop3A_294 = tpu.vector_load_idx %arg8[%parallel_loop3A_286, %parallel_loop3A_293] : memref<128x128xf32, #tpu.memory_space<vmem>>[vector<16xi32>, vector<16xi32>], vector<16xf32>,
        %parallel_loop3A_295 = arith.constant 8.000000e+00 : f32
        %parallel_loop3A_296 = vector.broadcast %parallel_loop3A_295 : f32 to vector<16xf32>
        %parallel_loop3A_297 = arith.mulf %parallel_loop3A_294, %parallel_loop3A_296 : vector<16xf32>
        %parallel_loop3A_298 = arith.index_cast %parallel_loop3A_269 : i32 to index
        %parallel_loop3A_299 = arith.constant 0 : index
        %parallel_loop3A_300 = tpu.vector_load %arg10[%parallel_loop3A_298, %parallel_loop3A_299] {strides = array<i32>} : memref<128x64xf32, #tpu.memory_space<vmem>>, vector<16xf32>,
        tpu.vector_store %arg10[%parallel_loop3A_298, %parallel_loop3A_299], %parallel_loop3A_297 {strides = array<i32>} : memref<128x64xf32, #tpu.memory_space<vmem>>, vector<16xf32>,
        %parallel_loop3A_301 = arith.constant 16 : i32
        %parallel_loop3A_302 = vector.broadcast %parallel_loop3A_301 : i32 to vector<16xi32>
        %parallel_loop3A_303 = arith.addi %parallel_loop3A_290, %parallel_loop3A_302 : vector<16xi32>
        %parallel_loop3A_304 = tpu.vector_load_idx %arg8[%parallel_loop3A_286, %parallel_loop3A_303] : memref<128x128xf32, #tpu.memory_space<vmem>>[vector<16xi32>, vector<16xi32>], vector<16xf32>,
        %parallel_loop3A_305 = arith.constant 8.000000e+00 : f32
        %parallel_loop3A_306 = vector.broadcast %parallel_loop3A_305 : f32 to vector<16xf32>
        %parallel_loop3A_307 = arith.mulf %parallel_loop3A_304, %parallel_loop3A_306 : vector<16xf32>
        %parallel_loop3A_308 = arith.index_cast %parallel_loop3A_269 : i32 to index
        %parallel_loop3A_309 = arith.constant 16 : index
        %parallel_loop3A_310 = tpu.vector_load %arg10[%parallel_loop3A_308, %parallel_loop3A_309] {strides = array<i32>} : memref<128x64xf32, #tpu.memory_space<vmem>>, vector<16xf32>,
        tpu.vector_store %arg10[%parallel_loop3A_308, %parallel_loop3A_309], %parallel_loop3A_307 {strides = array<i32>} : memref<128x64xf32, #tpu.memory_space<vmem>>, vector<16xf32>,
        %parallel_loop3A_311 = arith.constant 32 : i32
        %parallel_loop3A_312 = vector.broadcast %parallel_loop3A_311 : i32 to vector<16xi32>
        %parallel_loop3A_313 = arith.addi %parallel_loop3A_290, %parallel_loop3A_312 : vector<16xi32>
        %parallel_loop3A_314 = tpu.vector_load_idx %arg8[%parallel_loop3A_286, %parallel_loop3A_313] : memref<128x128xf32, #tpu.memory_space<vmem>>[vector<16xi32>, vector<16xi32>], vector<16xf32>,
        %parallel_loop3A_315 = arith.constant 8.000000e+00 : f32
        %parallel_loop3A_316 = vector.broadcast %parallel_loop3A_315 : f32 to vector<16xf32>
        %parallel_loop3A_317 = arith.mulf %parallel_loop3A_314, %parallel_loop3A_316 : vector<16xf32>
        %parallel_loop3A_318 = arith.index_cast %parallel_loop3A_269 : i32 to index
        %parallel_loop3A_319 = arith.constant 32 : index
        %parallel_loop3A_320 = tpu.vector_load %arg10[%parallel_loop3A_318, %parallel_loop3A_319] {strides = array<i32>} : memref<128x64xf32, #tpu.memory_space<vmem>>, vector<16xf32>,
        tpu.vector_store %arg10[%parallel_loop3A_318, %parallel_loop3A_319], %parallel_loop3A_317 {strides = array<i32>} : memref<128x64xf32, #tpu.memory_space<vmem>>, vector<16xf32>,
        %parallel_loop3A_321 = arith.constant 48 : i32
        %parallel_loop3A_322 = vector.broadcast %parallel_loop3A_321 : i32 to vector<16xi32>
        %parallel_loop3A_323 = arith.addi %parallel_loop3A_290, %parallel_loop3A_322 : vector<16xi32>
        %parallel_loop3A_324 = tpu.vector_load_idx %arg8[%parallel_loop3A_286, %parallel_loop3A_323] : memref<128x128xf32, #tpu.memory_space<vmem>>[vector<16xi32>, vector<16xi32>], vector<16xf32>,
        %parallel_loop3A_325 = arith.constant 8.000000e+00 : f32
        %parallel_loop3A_326 = vector.broadcast %parallel_loop3A_325 : f32 to vector<16xf32>
        %parallel_loop3A_327 = arith.mulf %parallel_loop3A_324, %parallel_loop3A_326 : vector<16xf32>
        %parallel_loop3A_328 = arith.index_cast %parallel_loop3A_269 : i32 to index
        %parallel_loop3A_329 = arith.constant 48 : index
        %parallel_loop3A_330 = tpu.vector_load %arg10[%parallel_loop3A_328, %parallel_loop3A_329] {strides = array<i32>} : memref<128x64xf32, #tpu.memory_space<vmem>>, vector<16xf32>,
        tpu.vector_store %arg10[%parallel_loop3A_328, %parallel_loop3A_329], %parallel_loop3A_327 {strides = array<i32>} : memref<128x64xf32, #tpu.memory_space<vmem>>, vector<16xf32>,
      } {sc.loop_unroll_factor = 4 : i64, sc.parallel_access}
      %dma_start3A_235 = arith.constant 0 : i32
      %dma_start3A_236 = arith.constant 0 : i32
      %dma_start3A_237 = tpu.memref_slice %arg4[%add3A, %mul3A_103, %dma_start3A_235, %dma_start3A_236] : memref<32x200x128x64xf32, #tpu.memory_space<hbm>> -> memref<1x1x128x64xf32, #tpu.memory_space<hbm>>
      %dma_start3A_238 = tpu.memref_squeeze %dma_start3A_237 : memref<1x1x128x64xf32, #tpu.memory_space<hbm>> -> memref<128x64xf32, #tpu.memory_space<hbm>>
      %dma_start3A_239 = arith.constant 0 : i32
      %dma_start3A_240 = arith.constant 0 : i32
      %dma_start3A_241 = tpu.memref_slice %arg4[%add3A, %mul3A_103, %dma_start3A_239, %dma_start3A_240] : memref<32x200x128x64xf32, #tpu.memory_space<hbm>> -> memref<1x1x128x64xf32, #tpu.memory_space<hbm>>
      %dma_start3A_242 = tpu.memref_squeeze %dma_start3A_241 : memref<1x1x128x64xf32, #tpu.memory_space<hbm>> -> memref<128x64xf32, #tpu.memory_space<hbm>>
      tpu.enqueue_dma source(%arg10 : memref<128x64xf32, #tpu.memory_space<vmem>>) target(%dma_start3A_242 : memref<128x64xf32, #tpu.memory_space<hbm>>) target_semaphore(%arg14 : memref<!tpu.dma_semaphore, #tpu.memory_space<semaphore_mem>>)
      %lt3A = arith.constant 99 : i32
      %lt3A_243 = arith.cmpi slt, %scan3A_101, %lt3A : i32
      %convert_element_type3A_244 = arith.extui %lt3A_243 : i1 to i32
      %cond3A_245 = arith.constant 0 : i32
      %cond3A_246 = arith.cmpi ne, %convert_element_type3A_244, %cond3A_245 : i32
      scf.if %cond3A_246 {
        %add3A_269 = arith.constant 2 : i32
        %add3A_270 = arith.addi %mul3A_103, %add3A_269 : i32
        %mul3A_271 = arith.constant 128 : i32
        %mul3A_272 = arith.muli %add3A_270, %mul3A_271 : i32
        %add3A_273 = arith.constant 0 : i32
        %add3A_274 = arith.addi %mul3A_272, %add3A_273 : i32
        %get3A_275 = arith.index_cast %add3A_274 : i32 to index
        %get3A_276 = tpu.vector_load %arg5[%get3A_275] {strides = array<i32>} : memref<25600xi32, #tpu.memory_space<vmem>>, vector<16xi32>,
        %shift_right_logical3A_277 = arith.constant 1 : i32
        %shift_right_logical3A_278 = vector.broadcast %shift_right_logical3A_277 : i32 to vector<16xi32>
        %shift_right_logical3A_279 = arith.shrui %get3A_276, %shift_right_logical3A_278 : vector<16xi32>
        %swap3A_280 = arith.constant 0 : i32
        %swap3A_281 = arith.index_cast %swap3A_280 : i32 to index
        %swap3A_282 = arith.constant 0 : index
        %swap3A_283 = tpu.vector_load %arg6[%swap3A_281, %swap3A_282] {strides = array<i32>} : memref<1x128xi32, #tpu.memory_space<vmem>>, vector<16xi32>,
        tpu.vector_store %arg6[%swap3A_281, %swap3A_282], %shift_right_logical3A_279 {strides = array<i32>} : memref<1x128xi32, #tpu.memory_space<vmem>>, vector<16xi32>,
        %mul3A_284 = arith.constant 128 : i32
        %mul3A_285 = arith.muli %add3A_270, %mul3A_284 : i32
        %add3A_286 = arith.constant 16 : i32
        %add3A_287 = arith.addi %mul3A_285, %add3A_286 : i32
        %get3A_288 = arith.index_cast %add3A_287 : i32 to index
        %get3A_289 = tpu.vector_load %arg5[%get3A_288] {strides = array<i32>} : memref<25600xi32, #tpu.memory_space<vmem>>, vector<16xi32>,
        %shift_right_logical3A_290 = arith.constant 1 : i32
        %shift_right_logical3A_291 = vector.broadcast %shift_right_logical3A_290 : i32 to vector<16xi32>
        %shift_right_logical3A_292 = arith.shrui %get3A_289, %shift_right_logical3A_291 : vector<16xi32>
        %swap3A_293 = arith.constant 0 : i32
        %swap3A_294 = arith.index_cast %swap3A_293 : i32 to index
        %swap3A_295 = arith.constant 16 : index
        %swap3A_296 = tpu.vector_load %arg6[%swap3A_294, %swap3A_295] {strides = array<i32>} : memref<1x128xi32, #tpu.memory_space<vmem>>, vector<16xi32>,
        tpu.vector_store %arg6[%swap3A_294, %swap3A_295], %shift_right_logical3A_292 {strides = array<i32>} : memref<1x128xi32, #tpu.memory_space<vmem>>, vector<16xi32>,
        %mul3A_297 = arith.constant 128 : i32
        %mul3A_298 = arith.muli %add3A_270, %mul3A_297 : i32
        %add3A_299 = arith.constant 32 : i32
        %add3A_300 = arith.addi %mul3A_298, %add3A_299 : i32
        %get3A_301 = arith.index_cast %add3A_300 : i32 to index
        %get3A_302 = tpu.vector_load %arg5[%get3A_301] {strides = array<i32>} : memref<25600xi32, #tpu.memory_space<vmem>>, vector<16xi32>,
        %shift_right_logical3A_303 = arith.constant 1 : i32
        %shift_right_logical3A_304 = vector.broadcast %shift_right_logical3A_303 : i32 to vector<16xi32>
        %shift_right_logical3A_305 = arith.shrui %get3A_302, %shift_right_logical3A_304 : vector<16xi32>
        %swap3A_306 = arith.constant 0 : i32
        %swap3A_307 = arith.index_cast %swap3A_306 : i32 to index
        %swap3A_308 = arith.constant 32 : index
        %swap3A_309 = tpu.vector_load %arg6[%swap3A_307, %swap3A_308] {strides = array<i32>} : memref<1x128xi32, #tpu.memory_space<vmem>>, vector<16xi32>,
        tpu.vector_store %arg6[%swap3A_307, %swap3A_308], %shift_right_logical3A_305 {strides = array<i32>} : memref<1x128xi32, #tpu.memory_space<vmem>>, vector<16xi32>,
        %mul3A_310 = arith.constant 128 : i32
        %mul3A_311 = arith.muli %add3A_270, %mul3A_310 : i32
        %add3A_312 = arith.constant 48 : i32
        %add3A_313 = arith.addi %mul3A_311, %add3A_312 : i32
        %get3A_314 = arith.index_cast %add3A_313 : i32 to index
        %get3A_315 = tpu.vector_load %arg5[%get3A_314] {strides = array<i32>} : memref<25600xi32, #tpu.memory_space<vmem>>, vector<16xi32>,
        %shift_right_logical3A_316 = arith.constant 1 : i32
        %shift_right_logical3A_317 = vector.broadcast %shift_right_logical3A_316 : i32 to vector<16xi32>
        %shift_right_logical3A_318 = arith.shrui %get3A_315, %shift_right_logical3A_317 : vector<16xi32>
        %swap3A_319 = arith.constant 0 : i32
        %swap3A_320 = arith.index_cast %swap3A_319 : i32 to index
        %swap3A_321 = arith.constant 48 : index
        %swap3A_322 = tpu.vector_load %arg6[%swap3A_320, %swap3A_321] {strides = array<i32>} : memref<1x128xi32, #tpu.memory_space<vmem>>, vector<16xi32>,
        tpu.vector_store %arg6[%swap3A_320, %swap3A_321], %shift_right_logical3A_318 {strides = array<i32>} : memref<1x128xi32, #tpu.memory_space<vmem>>, vector<16xi32>,
        %mul3A_323 = arith.constant 128 : i32
        %mul3A_324 = arith.muli %add3A_270, %mul3A_323 : i32
        %add3A_325 = arith.constant 64 : i32
        %add3A_326 = arith.addi %mul3A_324, %add3A_325 : i32
        %get3A_327 = arith.index_cast %add3A_326 : i32 to index
        %get3A_328 = tpu.vector_load %arg5[%get3A_327] {strides = array<i32>} : memref<25600xi32, #tpu.memory_space<vmem>>, vector<16xi32>,
        %shift_right_logical3A_329 = arith.constant 1 : i32
        %shift_right_logical3A_330 = vector.broadcast %shift_right_logical3A_329 : i32 to vector<16xi32>
        %shift_right_logical3A_331 = arith.shrui %get3A_328, %shift_right_logical3A_330 : vector<16xi32>
        %swap3A_332 = arith.constant 0 : i32
        %swap3A_333 = arith.index_cast %swap3A_332 : i32 to index
        %swap3A_334 = arith.constant 64 : index
        %swap3A_335 = tpu.vector_load %arg6[%swap3A_333, %swap3A_334] {strides = array<i32>} : memref<1x128xi32, #tpu.memory_space<vmem>>, vector<16xi32>,
        tpu.vector_store %arg6[%swap3A_333, %swap3A_334], %shift_right_logical3A_331 {strides = array<i32>} : memref<1x128xi32, #tpu.memory_space<vmem>>, vector<16xi32>,
        %mul3A_336 = arith.constant 128 : i32
        %mul3A_337 = arith.muli %add3A_270, %mul3A_336 : i32
        %add3A_338 = arith.constant 80 : i32
        %add3A_339 = arith.addi %mul3A_337, %add3A_338 : i32
        %get3A_340 = arith.index_cast %add3A_339 : i32 to index
        %get3A_341 = tpu.vector_load %arg5[%get3A_340] {strides = array<i32>} : memref<25600xi32, #tpu.memory_space<vmem>>, vector<16xi32>,
        %shift_right_logical3A_342 = arith.constant 1 : i32
        %shift_right_logical3A_343 = vector.broadcast %shift_right_logical3A_342 : i32 to vector<16xi32>
        %shift_right_logical3A_344 = arith.shrui %get3A_341, %shift_right_logical3A_343 : vector<16xi32>
        %swap3A_345 = arith.constant 0 : i32
        %swap3A_346 = arith.index_cast %swap3A_345 : i32 to index
        %swap3A_347 = arith.constant 80 : index
        %swap3A_348 = tpu.vector_load %arg6[%swap3A_346, %swap3A_347] {strides = array<i32>} : memref<1x128xi32, #tpu.memory_space<vmem>>, vector<16xi32>,
        tpu.vector_store %arg6[%swap3A_346, %swap3A_347], %shift_right_logical3A_344 {strides = array<i32>} : memref<1x128xi32, #tpu.memory_space<vmem>>, vector<16xi32>,
        %mul3A_349 = arith.constant 128 : i32
        %mul3A_350 = arith.muli %add3A_270, %mul3A_349 : i32
        %add3A_351 = arith.constant 96 : i32
        %add3A_352 = arith.addi %mul3A_350, %add3A_351 : i32
        %get3A_353 = arith.index_cast %add3A_352 : i32 to index
        %get3A_354 = tpu.vector_load %arg5[%get3A_353] {strides = array<i32>} : memref<25600xi32, #tpu.memory_space<vmem>>, vector<16xi32>,
        %shift_right_logical3A_355 = arith.constant 1 : i32
        %shift_right_logical3A_356 = vector.broadcast %shift_right_logical3A_355 : i32 to vector<16xi32>
        %shift_right_logical3A_357 = arith.shrui %get3A_354, %shift_right_logical3A_356 : vector<16xi32>
        %swap3A_358 = arith.constant 0 : i32
        %swap3A_359 = arith.index_cast %swap3A_358 : i32 to index
        %swap3A_360 = arith.constant 96 : index
        %swap3A_361 = tpu.vector_load %arg6[%swap3A_359, %swap3A_360] {strides = array<i32>} : memref<1x128xi32, #tpu.memory_space<vmem>>, vector<16xi32>,
        tpu.vector_store %arg6[%swap3A_359, %swap3A_360], %shift_right_logical3A_357 {strides = array<i32>} : memref<1x128xi32, #tpu.memory_space<vmem>>, vector<16xi32>,
        %mul3A_362 = arith.constant 128 : i32
        %mul3A_363 = arith.muli %add3A_270, %mul3A_362 : i32
        %add3A_364 = arith.constant 112 : i32
        %add3A_365 = arith.addi %mul3A_363, %add3A_364 : i32
        %get3A_366 = arith.index_cast %add3A_365 : i32 to index
        %get3A_367 = tpu.vector_load %arg5[%get3A_366] {strides = array<i32>} : memref<25600xi32, #tpu.memory_space<vmem>>, vector<16xi32>,
        %shift_right_logical3A_368 = arith.constant 1 : i32
        %shift_right_logical3A_369 = vector.broadcast %shift_right_logical3A_368 : i32 to vector<16xi32>
        %shift_right_logical3A_370 = arith.shrui %get3A_367, %shift_right_logical3A_369 : vector<16xi32>
        %swap3A_371 = arith.constant 0 : i32
        %swap3A_372 = arith.index_cast %swap3A_371 : i32 to index
        %swap3A_373 = arith.constant 112 : index
        %swap3A_374 = tpu.vector_load %arg6[%swap3A_372, %swap3A_373] {strides = array<i32>} : memref<1x128xi32, #tpu.memory_space<vmem>>, vector<16xi32>,
        tpu.vector_store %arg6[%swap3A_372, %swap3A_373], %shift_right_logical3A_370 {strides = array<i32>} : memref<1x128xi32, #tpu.memory_space<vmem>>, vector<16xi32>,
        %dma_start3A_375 = arith.constant 0 : i32
        %dma_start3A_376 = arith.constant 0 : i32
        %dma_start3A_377 = arith.constant 0 : i32
        %dma_start3A_378 = tpu.memref_slice %arg8[%dma_start3A_376, %dma_start3A_377] : memref<128x128xf32, #tpu.memory_space<vmem>> -> memref<128x128xf32, #tpu.memory_space<vmem>>
        %dma_start3A_379 = arith.constant 0 : i32
        %dma_start3A_380 = tpu.memref_slice %arg6[%dma_start3A_375, %dma_start3A_379] : memref<1x128xi32, #tpu.memory_space<vmem>> -> memref<1x128xi32, #tpu.memory_space<vmem>>
        %dma_start3A_381 = tpu.memref_squeeze %dma_start3A_380 : memref<1x128xi32, #tpu.memory_space<vmem>> -> memref<128xi32, #tpu.memory_space<vmem>>
        %dma_start3A_382 = arith.constant 0 : i32
        %dma_start3A_383 = arith.constant 0 : i32
        %dma_start3A_384 = tpu.memref_slice %arg3[%dma_start3A_382, %dma_start3A_383] : memref<500000x128xf32, #tpu.memory_space<hbm>> -> memref<500000x128xf32, #tpu.memory_space<hbm>>
        tpu.enqueue_indirect_dma source(%dma_start3A_384 : memref<500000x128xf32, #tpu.memory_space<hbm>>) target(%dma_start3A_378 : memref<128x128xf32, #tpu.memory_space<vmem>>) offsets(%dma_start3A_381 : memref<128xi32, #tpu.memory_space<vmem>>) semaphore(%arg12 : memref<!tpu.dma_semaphore, #tpu.memory_space<semaphore_mem>>)
      } else {
      }
      %dma_wait3A_247 = arith.constant 0 : i32
      %dma_wait3A_248 = arith.constant 0 : i32
      %dma_wait3A_249 = tpu.memref_slice %arg3[%dma_wait3A_247, %dma_wait3A_248] : memref<500000x128xf32, #tpu.memory_space<hbm>> -> memref<128x128xf32, #tpu.memory_space<hbm>>
      %dma_wait3A_250 = arith.constant 0 : i32
      %dma_wait3A_251 = arith.constant 0 : i32
      %dma_wait3A_252 = tpu.memref_slice %arg3[%dma_wait3A_250, %dma_wait3A_251] : memref<500000x128xf32, #tpu.memory_space<hbm>> -> memref<128x128xf32, #tpu.memory_space<hbm>>
      tpu.wait_dma2 semaphore(%arg13 : memref<!tpu.dma_semaphore, #tpu.memory_space<semaphore_mem>>) src(%dma_wait3A_252 : memref<128x128xf32, #tpu.memory_space<hbm>>) dst(%arg9 : memref<128x128xf32, #tpu.memory_space<vmem>>)
      %add3A_253 = arith.constant 1 : i32
      %add3A_254 = arith.addi %mul3A_103, %add3A_253 : i32
      %iota3A_255 = tpu.iota {dimensions = array<i32: 0>} : vector<16xi32>
      %parallel_loop3A_256 = arith.constant 0 : i32
      %parallel_loop3A_257 = arith.constant 128 : i32
      %parallel_loop3A_258 = arith.constant 1 : i32
      scf.for %parallel_loop3A_269 = %parallel_loop3A_256 to %parallel_loop3A_257 step %parallel_loop3A_258  : i32 {
        %parallel_loop3A_270 = arith.constant 0 : i32
        %parallel_loop3A_271 = vector.broadcast %parallel_loop3A_270 : i32 to vector<16xi32>
        %parallel_loop3A_272 = arith.muli %iota3A_255, %parallel_loop3A_271 : vector<16xi32>
        %parallel_loop3A_273 = arith.constant 128 : i32
        %parallel_loop3A_274 = arith.muli %add3A_254, %parallel_loop3A_273 : i32
        %parallel_loop3A_275 = arith.addi %parallel_loop3A_274, %parallel_loop3A_269 : i32
        %parallel_loop3A_276 = vector.broadcast %parallel_loop3A_275 : i32 to vector<16xi32>
        %parallel_loop3A_277 = arith.addi %parallel_loop3A_272, %parallel_loop3A_276 : vector<16xi32>
        %parallel_loop3A_278 = tpu.vector_load_idx %arg5[%parallel_loop3A_277] : memref<25600xi32, #tpu.memory_space<vmem>>[vector<16xi32>], vector<16xi32>,
        %parallel_loop3A_279 = arith.constant 1 : i32
        %parallel_loop3A_280 = vector.broadcast %parallel_loop3A_279 : i32 to vector<16xi32>
        %parallel_loop3A_281 = arith.andi %parallel_loop3A_278, %parallel_loop3A_280 : vector<16xi32>
        %parallel_loop3A_282 = arith.constant 0 : i32
        %parallel_loop3A_283 = vector.broadcast %parallel_loop3A_282 : i32 to vector<16xi32>
        %parallel_loop3A_284 = arith.muli %iota3A_255, %parallel_loop3A_283 : vector<16xi32>
        %parallel_loop3A_285 = vector.broadcast %parallel_loop3A_269 : i32 to vector<16xi32>
        %parallel_loop3A_286 = arith.addi %parallel_loop3A_284, %parallel_loop3A_285 : vector<16xi32>
        %parallel_loop3A_287 = arith.constant 64 : i32
        %parallel_loop3A_288 = vector.broadcast %parallel_loop3A_287 : i32 to vector<16xi32>
        %parallel_loop3A_289 = arith.muli %parallel_loop3A_281, %parallel_loop3A_288 : vector<16xi32>
        %parallel_loop3A_290 = arith.addi %parallel_loop3A_289, %iota3A_255 : vector<16xi32>
        %parallel_loop3A_291 = arith.constant 0 : i32
        %parallel_loop3A_292 = vector.broadcast %parallel_loop3A_291 : i32 to vector<16xi32>
        %parallel_loop3A_293 = arith.addi %parallel_loop3A_290, %parallel_loop3A_292 : vector<16xi32>
        %parallel_loop3A_294 = tpu.vector_load_idx %arg9[%parallel_loop3A_286, %parallel_loop3A_293] : memref<128x128xf32, #tpu.memory_space<vmem>>[vector<16xi32>, vector<16xi32>], vector<16xf32>,
        %parallel_loop3A_295 = arith.constant 8.000000e+00 : f32
        %parallel_loop3A_296 = vector.broadcast %parallel_loop3A_295 : f32 to vector<16xf32>
        %parallel_loop3A_297 = arith.mulf %parallel_loop3A_294, %parallel_loop3A_296 : vector<16xf32>
        %parallel_loop3A_298 = arith.index_cast %parallel_loop3A_269 : i32 to index
        %parallel_loop3A_299 = arith.constant 0 : index
        %parallel_loop3A_300 = tpu.vector_load %arg11[%parallel_loop3A_298, %parallel_loop3A_299] {strides = array<i32>} : memref<128x64xf32, #tpu.memory_space<vmem>>, vector<16xf32>,
        tpu.vector_store %arg11[%parallel_loop3A_298, %parallel_loop3A_299], %parallel_loop3A_297 {strides = array<i32>} : memref<128x64xf32, #tpu.memory_space<vmem>>, vector<16xf32>,
        %parallel_loop3A_301 = arith.constant 16 : i32
        %parallel_loop3A_302 = vector.broadcast %parallel_loop3A_301 : i32 to vector<16xi32>
        %parallel_loop3A_303 = arith.addi %parallel_loop3A_290, %parallel_loop3A_302 : vector<16xi32>
        %parallel_loop3A_304 = tpu.vector_load_idx %arg9[%parallel_loop3A_286, %parallel_loop3A_303] : memref<128x128xf32, #tpu.memory_space<vmem>>[vector<16xi32>, vector<16xi32>], vector<16xf32>,
        %parallel_loop3A_305 = arith.constant 8.000000e+00 : f32
        %parallel_loop3A_306 = vector.broadcast %parallel_loop3A_305 : f32 to vector<16xf32>
        %parallel_loop3A_307 = arith.mulf %parallel_loop3A_304, %parallel_loop3A_306 : vector<16xf32>
        %parallel_loop3A_308 = arith.index_cast %parallel_loop3A_269 : i32 to index
        %parallel_loop3A_309 = arith.constant 16 : index
        %parallel_loop3A_310 = tpu.vector_load %arg11[%parallel_loop3A_308, %parallel_loop3A_309] {strides = array<i32>} : memref<128x64xf32, #tpu.memory_space<vmem>>, vector<16xf32>,
        tpu.vector_store %arg11[%parallel_loop3A_308, %parallel_loop3A_309], %parallel_loop3A_307 {strides = array<i32>} : memref<128x64xf32, #tpu.memory_space<vmem>>, vector<16xf32>,
        %parallel_loop3A_311 = arith.constant 32 : i32
        %parallel_loop3A_312 = vector.broadcast %parallel_loop3A_311 : i32 to vector<16xi32>
        %parallel_loop3A_313 = arith.addi %parallel_loop3A_290, %parallel_loop3A_312 : vector<16xi32>
        %parallel_loop3A_314 = tpu.vector_load_idx %arg9[%parallel_loop3A_286, %parallel_loop3A_313] : memref<128x128xf32, #tpu.memory_space<vmem>>[vector<16xi32>, vector<16xi32>], vector<16xf32>,
        %parallel_loop3A_315 = arith.constant 8.000000e+00 : f32
        %parallel_loop3A_316 = vector.broadcast %parallel_loop3A_315 : f32 to vector<16xf32>
        %parallel_loop3A_317 = arith.mulf %parallel_loop3A_314, %parallel_loop3A_316 : vector<16xf32>
        %parallel_loop3A_318 = arith.index_cast %parallel_loop3A_269 : i32 to index
        %parallel_loop3A_319 = arith.constant 32 : index
        %parallel_loop3A_320 = tpu.vector_load %arg11[%parallel_loop3A_318, %parallel_loop3A_319] {strides = array<i32>} : memref<128x64xf32, #tpu.memory_space<vmem>>, vector<16xf32>,
        tpu.vector_store %arg11[%parallel_loop3A_318, %parallel_loop3A_319], %parallel_loop3A_317 {strides = array<i32>} : memref<128x64xf32, #tpu.memory_space<vmem>>, vector<16xf32>,
        %parallel_loop3A_321 = arith.constant 48 : i32
        %parallel_loop3A_322 = vector.broadcast %parallel_loop3A_321 : i32 to vector<16xi32>
        %parallel_loop3A_323 = arith.addi %parallel_loop3A_290, %parallel_loop3A_322 : vector<16xi32>
        %parallel_loop3A_324 = tpu.vector_load_idx %arg9[%parallel_loop3A_286, %parallel_loop3A_323] : memref<128x128xf32, #tpu.memory_space<vmem>>[vector<16xi32>, vector<16xi32>], vector<16xf32>,
        %parallel_loop3A_325 = arith.constant 8.000000e+00 : f32
        %parallel_loop3A_326 = vector.broadcast %parallel_loop3A_325 : f32 to vector<16xf32>
        %parallel_loop3A_327 = arith.mulf %parallel_loop3A_324, %parallel_loop3A_326 : vector<16xf32>
        %parallel_loop3A_328 = arith.index_cast %parallel_loop3A_269 : i32 to index
        %parallel_loop3A_329 = arith.constant 48 : index
        %parallel_loop3A_330 = tpu.vector_load %arg11[%parallel_loop3A_328, %parallel_loop3A_329] {strides = array<i32>} : memref<128x64xf32, #tpu.memory_space<vmem>>, vector<16xf32>,
        tpu.vector_store %arg11[%parallel_loop3A_328, %parallel_loop3A_329], %parallel_loop3A_327 {strides = array<i32>} : memref<128x64xf32, #tpu.memory_space<vmem>>, vector<16xf32>,
      } {sc.loop_unroll_factor = 4 : i64, sc.parallel_access}
      %add3A_259 = arith.constant 1 : i32
      %add3A_260 = arith.addi %mul3A_103, %add3A_259 : i32
      %dma_start3A_261 = arith.constant 0 : i32
      %dma_start3A_262 = arith.constant 0 : i32
      %dma_start3A_263 = tpu.memref_slice %arg4[%add3A, %add3A_260, %dma_start3A_261, %dma_start3A_262] : memref<32x200x128x64xf32, #tpu.memory_space<hbm>> -> memref<1x1x128x64xf32, #tpu.memory_space<hbm>>
      %dma_start3A_264 = tpu.memref_squeeze %dma_start3A_263 : memref<1x1x128x64xf32, #tpu.memory_space<hbm>> -> memref<128x64xf32, #tpu.memory_space<hbm>>
      %dma_start3A_265 = arith.constant 0 : i32
      %dma_start3A_266 = arith.constant 0 : i32
      %dma_start3A_267 = tpu.memref_slice %arg4[%add3A, %add3A_260, %dma_start3A_265, %dma_start3A_266] : memref<32x200x128x64xf32, #tpu.memory_space<hbm>> -> memref<1x1x128x64xf32, #tpu.memory_space<hbm>>
      %dma_start3A_268 = tpu.memref_squeeze %dma_start3A_267 : memref<1x1x128x64xf32, #tpu.memory_space<hbm>> -> memref<128x64xf32, #tpu.memory_space<hbm>>
      tpu.enqueue_dma source(%arg11 : memref<128x64xf32, #tpu.memory_space<vmem>>) target(%dma_start3A_268 : memref<128x64xf32, #tpu.memory_space<hbm>>) target_semaphore(%arg15 : memref<!tpu.dma_semaphore, #tpu.memory_space<semaphore_mem>>)
    }
    %scan3A_83 = arith.constant 100 : i32
    %dma_wait3A = arith.constant 198 : i32
    %dma_wait3A_84 = arith.constant 0 : i32
    %dma_wait3A_85 = arith.constant 0 : i32
    %dma_wait3A_86 = tpu.memref_slice %arg4[%add3A, %dma_wait3A, %dma_wait3A_84, %dma_wait3A_85] : memref<32x200x128x64xf32, #tpu.memory_space<hbm>> -> memref<1x1x128x64xf32, #tpu.memory_space<hbm>>
    %dma_wait3A_87 = tpu.memref_squeeze %dma_wait3A_86 : memref<1x1x128x64xf32, #tpu.memory_space<hbm>> -> memref<128x64xf32, #tpu.memory_space<hbm>>
    %dma_wait3A_88 = arith.constant 0 : i32
    %dma_wait3A_89 = arith.constant 0 : i32
    %dma_wait3A_90 = tpu.memref_slice %arg4[%add3A, %dma_wait3A, %dma_wait3A_88, %dma_wait3A_89] : memref<32x200x128x64xf32, #tpu.memory_space<hbm>> -> memref<1x1x128x64xf32, #tpu.memory_space<hbm>>
    %dma_wait3A_91 = tpu.memref_squeeze %dma_wait3A_90 : memref<1x1x128x64xf32, #tpu.memory_space<hbm>> -> memref<128x64xf32, #tpu.memory_space<hbm>>
    tpu.wait_dma2 semaphore(%arg14 : memref<!tpu.dma_semaphore, #tpu.memory_space<semaphore_mem>>) src(%arg10 : memref<128x64xf32, #tpu.memory_space<vmem>>) dst(%dma_wait3A_91 : memref<128x64xf32, #tpu.memory_space<hbm>>)
    %dma_wait3A_92 = arith.constant 199 : i32
    %dma_wait3A_93 = arith.constant 0 : i32
    %dma_wait3A_94 = arith.constant 0 : i32
    %dma_wait3A_95 = tpu.memref_slice %arg4[%add3A, %dma_wait3A_92, %dma_wait3A_93, %dma_wait3A_94] : memref<32x200x128x64xf32, #tpu.memory_space<hbm>> -> memref<1x1x128x64xf32, #tpu.memory_space<hbm>>
    %dma_wait3A_96 = tpu.memref_squeeze %dma_wait3A_95 : memref<1x1x128x64xf32, #tpu.memory_space<hbm>> -> memref<128x64xf32, #tpu.memory_space<hbm>>
    %dma_wait3A_97 = arith.constant 0 : i32
    %dma_wait3A_98 = arith.constant 0 : i32
    %dma_wait3A_99 = tpu.memref_slice %arg4[%add3A, %dma_wait3A_92, %dma_wait3A_97, %dma_wait3A_98] : memref<32x200x128x64xf32, #tpu.memory_space<hbm>> -> memref<1x1x128x64xf32, #tpu.memory_space<hbm>>
    %dma_wait3A_100 = tpu.memref_squeeze %dma_wait3A_99 : memref<1x1x128x64xf32, #tpu.memory_space<hbm>> -> memref<128x64xf32, #tpu.memory_space<hbm>>
    tpu.wait_dma2 semaphore(%arg15 : memref<!tpu.dma_semaphore, #tpu.memory_space<semaphore_mem>>) src(%arg11 : memref<128x64xf32, #tpu.memory_space<vmem>>) dst(%dma_wait3A_100 : memref<128x64xf32, #tpu.memory_space<hbm>>)
    return
  }
}

</mosaic_0001>

<sc_bundles>
// kernel: kernel.3.cloned.1.call-start
scs
__scs_entry_jumppad:
0x0: {  	(pc) =	sbr.rel $0x88, $3  }
0x1: {  	(tag) =	ssettag $0x0;
	lr =	simm.s32 $0x1  }
0x2: {  	[smem:$0x3F9F] =	sst lr;
	_ =	strace $0xD0000000  }
0x3: {  	_ = 	snop  }
0x4: {  	_ = 	snop  }
0x5: {  	_ = 	snop  }
0x6: {  	_ = 	snop  }
0x7: {  	_ = 	snop  }
__scs_overlays_trampoline_lowered:
0x8: {  	[smem:$0x3FAE] =	sst s0  }
0x9: {  	[smem:$0x3FAF] =	sst s1  }
0xa: {  	[smem:$0x3FB0] =	sst s2  }
0xb: {  	[smem:$0x3FB1] =	sst s3  }
0xc: {  	[smem:$0x3FB2] =	sst s4  }
0xd: {  	[smem:$0x3FB3] =	sst s5  }
0xe: {  	[smem:$0x3FB4] =	sst s6  }
0xf: {  	[smem:$0x3FB5] =	sst s7  }
0x10: {  	[smem:$0x3FB6] =	sst s8  }
0x11: {  	[smem:$0x3FB7] =	sst s9;
	s0 =	simm.s32 @!p0 $0x0  }
0x12: {  	s1 =	sld [smem:$0x3F9D];
	s0 =	simm.s32 @p0 $0x1  }
0x13: {  	[smem:$0x3FB8] =	sst s0;
	s0 =	simm.s32 @!p1 $0x0  }
0x14: {  	s2 =	sld [smem:$0x3F9C];
	s0 =	simm.s32 @p1 $0x1  }
0x15: {  	[smem:$0x3FB9] =	sst s0;
	s0 =	simm.s32 @!p2 $0x0  }
0x16: {  	s3 =	sld [smem:$0x3FDB];
	s0 =	simm.s32 @p2 $0x1  }
0x17: {  	s4 =	simm.s32 $0x1BF5;
	[smem:$0x3FBB] =	sst s0  }
0x18: {  	s0 =	sld [smem:$0x3F9E];
	_ =	swait.ge [sflag:s4], $0x0  }
0x19: {  	s7 =	sld [smem:$0x3F9F]  }
0x1a: {  	s8 =	sadd.s32 $0xFFFFE003, lr  }
0x1b: {  	s9 =	sadd.s32 $0xFFFFFEF7, lr;
	s5 =	simm.s32 $0xFFFFFFFF;
	p2 =	slt.u32 s8, $0xFFFFF086  }
0x1c: {  	p1 =	slt.u32 s9, $0xF7A;
	s5 =	simm.s32 @!p2 $0x0  }
0x1d: {  	s5 =	simm.s32 @p1 $0x1;
	p0 =	seq.s32 s7, s2  }
0x1e: {  	s7 =	smul.u32 @!p0 $0xF7A, s2;
	p2 =	seq.s32 @!p0 s5, $0x0  }
0x1f: {  	s9 =	smul.u32 $0xF7A, s1;
	s8 =	simm.s32 @!p0 $0x1BF5;
	p2 =	por !p2, p0  }
0x20: {  	[sflag:s8] =	ssyncset.s32 @!p0 $0xFFFFF086;
	s6 =	sadd.s32 @!p0 s3, s7;
	s7 =	simm.s32 @!p0 $0x108  }
0x21: {  	s3 =	sadd.s32 s3, s9;
	s6 =	sadd.s32 @!p0 $0x88, s6;
	s7 =	simm.s32 @p2 $0x1082  }
0x22: {  	[simem:s7], [sflag:s8] =	dma.local @!p0 [hbm:s6], $0xF7A  }
0x23: {  	s9 =	sor.u32 $0xD0000000, s2;
	s6 =	simm.s32 $0x108;
	_ =	swait.ge @!p0 [sflag:s8], $0x0  }
0x24: {  	s3 =	sadd.s32 $0x88, s3;
	s6 =	simm.s32 @!p1 $0x1082;
	[sflag:s4] =	ssyncset.s32 $0xFFFFF086  }
0x25: {  	[simem:s6], [sflag:s4] =	dma.local [hbm:s3], $0xF7A  }
0x26: {  	[smem:$0x3F9F] =	sst s1;
	(tag) =	ssettag s2;
	_ =	strace s9  }
0x27: {  	s1 =	sld [smem:$0x3FAF]  }
0x28: {  	s2 =	sld [smem:$0x3FB0]  }
0x29: {  	s4 =	sld [smem:$0x3FB2]  }
0x2a: {  	p0 =	seq.s32 s5, $0x0;
	s5 =	sld [smem:$0x3FB3]  }
0x2b: {  	s6 =	sld [smem:$0x3FB4]  }
0x2c: {  	s7 =	sld [smem:$0x3FB5]  }
0x2d: {  	s3 =	simm.s32 $0x108;
	s8 =	sld [smem:$0x3FB6]  }
0x2e: {  	s3 =	simm.s32 @!p0 $0x1082;
	s9 =	sld [smem:$0x3FB7]  }
0x2f: {  	lr =	sadd.s32 s0, s3;
	s0 =	sld [smem:$0x3FAE]  }
0x30: {  	s3 =	sld [smem:$0x3FB1]  }
0x31: {  	[smem:$0x3FBA] =	sst s10  }
0x32: {  	s10 =	sld [smem:$0x3FB8];
	_ =	sdelay $0x3  }
0x33: {  	p0 =	seq.s32 s10, $0x1;
	s10 =	sld [smem:$0x3FBA];
	_ =	sdelay $0x3  }
0x34: {  	[smem:$0x3FBA] =	sst s10  }
0x35: {  	s10 =	sld [smem:$0x3FB9];
	_ =	sdelay $0x3  }
0x36: {  	p1 =	seq.s32 s10, $0x1;
	s10 =	sld [smem:$0x3FBA];
	_ =	sdelay $0x3  }
0x37: {  	[smem:$0x3FBA] =	sst s10  }
0x38: {  	s10 =	sld [smem:$0x3FBB]  }
0x39: {  	_ = 	snop;
	(pc) =	sbr.ind lr, $3  }
0x3a: {  	_ = 	snop  }
0x3b: {  	_ = 	snop  }
0x3c: {  	p2 =	seq.s32 s10, $0x1;
	s10 =	sld [smem:$0x3FBA]  }
0x3d: {  	_ =	shalt  }
0x3e: {  	_ =	shalt  }
0x3f: {  	_ =	shalt  }
0x40: {  	_ =	shalt  }
0x41: {  	_ =	shalt  }
0x42: {  	_ =	shalt  }
0x43: {  	_ =	shalt  }
0x44: {  	_ =	shalt  }
0x45: {  	_ =	shalt  }
0x46: {  	_ =	shalt  }
0x47: {  	_ =	shalt  }
0x48: {  	_ =	shalt  }
0x49: {  	_ =	shalt  }
0x4a: {  	_ =	shalt  }
0x4b: {  	_ =	shalt  }
0x4c: {  	_ =	shalt  }
0x4d: {  	_ =	shalt  }
0x4e: {  	_ =	shalt  }
0x4f: {  	_ =	shalt  }
0x50: {  	_ =	shalt  }
0x51: {  	_ =	shalt  }
0x52: {  	_ =	shalt  }
0x53: {  	_ =	shalt  }
0x54: {  	_ =	shalt  }
0x55: {  	_ =	shalt  }
0x56: {  	_ =	shalt  }
0x57: {  	_ =	shalt  }
0x58: {  	_ =	shalt  }
0x59: {  	_ =	shalt  }
0x5a: {  	_ =	shalt  }
0x5b: {  	_ =	shalt  }
0x5c: {  	_ =	shalt  }
0x5d: {  	_ =	shalt  }
0x5e: {  	_ =	shalt  }
0x5f: {  	_ =	shalt  }
0x60: {  	_ =	shalt  }
0x61: {  	_ =	shalt  }
0x62: {  	_ =	shalt  }
0x63: {  	_ =	shalt  }
0x64: {  	_ =	shalt  }
0x65: {  	_ =	shalt  }
0x66: {  	_ =	shalt  }
0x67: {  	_ =	shalt  }
0x68: {  	_ =	shalt  }
0x69: {  	_ =	shalt  }
0x6a: {  	_ =	shalt  }
0x6b: {  	_ =	shalt  }
0x6c: {  	_ =	shalt  }
0x6d: {  	_ =	shalt  }
0x6e: {  	_ =	shalt  }
0x6f: {  	_ =	shalt  }
0x70: {  	_ =	shalt  }
0x71: {  	_ =	shalt  }
0x72: {  	_ =	shalt  }
0x73: {  	_ =	shalt  }
0x74: {  	_ =	shalt  }
0x75: {  	_ =	shalt  }
0x76: {  	_ =	shalt  }
0x77: {  	_ =	shalt  }
0x78: {  	_ =	shalt  }
0x79: {  	_ =	shalt  }
0x7a: {  	_ =	shalt  }
0x7b: {  	_ =	shalt  }
0x7c: {  	_ =	shalt  }
0x7d: {  	_ =	shalt  }
0x7e: {  	_ =	shalt  }
0x7f: {  	_ =	shalt  }
0x80: {  	_ =	shalt  }
0x81: {  	_ =	shalt  }
0x82: {  	_ =	shalt  }
0x83: {  	_ =	shalt  }
0x84: {  	_ =	shalt  }
0x85: {  	_ =	shalt  }
0x86: {  	_ =	shalt  }
0x87: {  	_ =	shalt  }
.Lfunc_end0:
.L_simem_size_0:
called_computation.1_lowered:
.L_overlay_start_0:
0x88: {  	s2 =	sld [smem:$0x3FD9]  }
0x89: {  	s3 =	sld [smem:$0x3FFE];
	_ =	sdelay $0x1  }
0x8a: {  	s1 =	srdreg.scid  }
0x8b: {  	s0 =	sand.u32 $0x1, s1  }
0x8c: {  	s17 =	sshll.u32 s0, $0xA;
	s2 =	sadd.s32 s3, s2  }
0x8d: {  	s2 =	sadd.s32 s2, s17  }
0x8e: {  	[smem:$0x3FC6] =	sst s2  }
0x8f: {  	_ = 	snop  }
0x90: {  	s2 =	sld [smem:$0x3FD0];
	(tm) =	ssettm $0x1  }
0x91: {  	s18 =	sld [smem:$0x3FFB];
	_ =	sdelay $0x3  }
0x92: {  	_ =	strace s18  }
0x93: {  	s3 =	sld [smem:$0x3FFC];
	_ =	sdelay $0x3  }
0x94: {  	_ =	strace s3  }
0x95: {  	s3 =	sld [smem:$0x3FFD];
	_ =	sdelay $0x3  }
0x96: {  	_ =	strace s3  }
0x97: {  	_ =	strace $0x8FFFFFFF  }
0x98: {  	s19 =	sld [smem:$0x3FDB];
	_ =	sdelay $0x1  }
0x99: {  	s4 =	simm.s32 $_scs_section_size  }
0x9a: {  	s5 =	simm.s32 $_size__tile_overlayer_lowered;
	s6 =	simm.s32 $_tile_overlayer_lowered  }
0x9b: {  	s22 =	simm.s32 $0x1BFF;
	s21 =	sshll.u32 s6, $0x1;
	s3 =	sadd.s32 s4, s19  }
0x9c: {  	s7 =	simm.s32 $0x0;
	s20 =	sshll.u32 s5, $0x1;
	s5 =	sadd.s32 s21, s3  }
0x9d: {  	[timem:s7], [sflag:s22] =	dma.local [hbm:s5], s20  }
0x9e: {  	_ =	swait.ge [sflag:s22], s20  }
0x9f: {  	s4 =	ssub.s32 $0x0, s20;
	[sflag:s22] =	ssyncset.done $0x0  }
0xa0: {  	[sflag:s22] =	ssyncadd.s32 s4;
	_ =	sdelay $0x1  }
0xa1: {  	s23 =	simm.s32 $0x1B8B  }
0xa2: {  	_ =	swait.ge [sflag:s23], $0x1  }
0xa3: {  	[sflag:s23] =	ssyncset.done $0x0  }
0xa4: {  	s25 =	simm.s32 $0x1B8E;
	s24 =	sld [smem:$0x3FFE];
	[sflag:s23] =	ssyncadd.s32 $0xFFFFFFFF  }
0xa5: {  	s26 =	simm.s32 $execute0_lowered;
	[smem:$0x3FD2] =	sst s25  }
0xa6: {  	s5 =	sshll.u32 s26, $0x1;
	_ =	strace $0x80000046;
	[dreg:$0x1] =	wrdreg $0xFFFFFFFF  }
0xa7: {  	s28 =	simm.s32 $_size_execute0_lowered;
	s3 =	sadd.s32 s3, s5;
	[dreg:$0x0] =	wrdreg $0x0  }
0xa8: {  	s5 =	sshll.u32 s28, $0x1;
	[dreg:$0x2] =	wrdreg s3  }
0xa9: {  	[dreg:$0x3] =	wrdreg s5  }
0xaa: {  	[dreg:$0x4] =	wrdreg $0xC0  }
0xab: {  	_ =	task [dreg:s7], $0x5FFFF  }
0xac: {  	[dreg:$0x1] =	wrdreg $0xFFFFFFFF  }
0xad: {  	[dreg:$0x0] =	wrdreg $0x60  }
0xae: {  	[dreg:$0x2] =	wrdreg s2  }
0xaf: {  	[dreg:$0x3] =	wrdreg s24  }
0xb0: {  	[dreg:$0x4] =	wrdreg $0x9  }
0xb1: {  	_ =	task.clear_ibuf [dreg:s7], $0x5FFFF;
	_ =	strace $0x90000046  }
0xb2: {  	s29 =	simm.s32 $0x9;
	_ =	strace $0x80000048  }
0xb3: {  	_ =	swait.ge [sflag:s29], $0x1  }
0xb4: {  	[sflag:s29] =	ssyncadd.s32 $0xFFFFFFFF  }
0xb5: {  	_ =	strace $0x90000048  }
0xb6: {  	_ =	sfence  }
0xb7: {  	s30 =	sld [smem:$0x0];
	_ =	sdelay $0x2  }
0xb8: {  	s31 =	sshll.u32 s1, $0xD;
	s1 =	sshrl.u32 s1, $0x2  }
0xb9: {  	s3 =	sand.u32 $0x4000, s31;
	s1 =	sadd.s32 s1, s30  }
0xba: {  	s0 =	sor.u32 s3, s0;
	s1 =	sshll.u32 s1, $0x11  }
0xbb: {  	s0 =	sor.u32 s1, s0  }
0xbc: {  	s0 =	sadd.s32 $0x8F2B, s0  }
0xbd: {  	[sflag:s0] =	ssyncadd.remote.s32 $0x1  }
0xbe: {  	_ =	sfence.sel $0xFFFF  }
0xbf: {  	[dreg:$0x0] =	wrdreg $0xFFFFFFFF;
	(pc) =	sbr.abs _section_cstart, $3  }
0xc0: {  	[dreg:$0x1] =	wrdreg $0xFFFFFFFF  }
0xc1: {  	_ =	task.clear_ibuf [dreg:s7], $0x2FFFF;
	_ =	strace $0x9FFFFFFF  }
0xc2: {  	(tm) =	ssettm $0x7FFFFFFF  }
0xc3: {  	_ =	shalt  }
tec
execute0_lowered:
.L_overlay_start_1:
0x0: {  	(tag) =	ssettag $0x1  }
0x1: {  	s0 =	rddreg [dreg:$0x0]  }
0x2: {  	s1 =	rddreg [dreg:$0x1]  }
0x3: {  	s2 =	srdreg.scid;
	s5 =	stileid.u32;
	s10 =	simm.s32 $0x5  }
0x4: {  	s12 =	simm.s32 $0x6500;
	s13 =	simm.s32 $0x6480;
	s14 =	simm.s32 $0xA500  }
0x5: {  	s15 =	simm.s32 $0x1;
	s16 =	simm.s32 $0xE500;
	s17 =	simm.s32 $0x2  }
0x6: {  	s18 =	simm.s32 $0x12500;
	s19 =	simm.s32 $0x3;
	s20 =	simm.s32 $0x4  }
0x7: {  	s21 =	simm.s32 $0x0;
	s4 =	sand.u32 $0x1, s2;
	s3 =	sshll.u32 s5, $0x1  }
0x8: {  	s2 =	simm.s32 $0x0;
	s28 =	sshrl.u32 s5, $0x2;
	s6 =	sor.u32 s4, s3  }
0x9: {  	s5 =	smul.u32 $0x32000, s28;
	s8 =	ssub.s32 $0x2, s4;
	s29 =	sshll.u32 s6, $0x7  }
0xa: {  	s3 =	sadd.s32 $0xF42E00, s1;
	s30 =	sshrl.u32 s8, $0x1;
	s7 =	sand.u32 $0x380, s29  }
0xb: {  	s4 =	sadd.s32 $0xA00, s1;
	s1 =	ssub.s32 s8, s30;
	s5 =	sor.u32 s5, s7  }
0xc: {  	[smem:$0x7FF] =	sst s2;
	s31 =	smax.u32 s1, $0x1;
	s5 =	sshrl.u32 s5, $0x3  }
0xd: {  	v0 =	vlaneseq.u32;
	_ =	strace $0x80000047;
	[dreg:$0x4] =	wrdreg s31;
	s0 =	sadd.s32 s0, s5  }
0xe: {  	v1 =	vor.u32 $0x10, v0;
	v2 =	vor.u32 $0x20, v0;
	v3 =	vor.u32 $0x30, v0;
	s6 =	smul.u32 $0x320000, s6;
	s8 =	simm.s32 $0x80;
	[dreg:$0x3] =	wrdreg s0  }
.LBB2_1:
0xf: {  	s0 =	rddreg [dreg:$0x3];
	s1 =	simm.s32 $0x400  }
0x10: {  	[tilespmem:s2], [sflag:$0x5] =	stream.strided.gather [hbm4b:s0+s8], $0x6400, s1, s8, $0x38;
	[tilespmem:$0x16500] =	vst v63  }
0x11: {  	_ =	swait.ge [sflag:s10], $0x6400  }
0x12: {  	[sflag:s10] =	ssyncset.done $0x0  }
0x13: {  	[sflag:s10] =	ssyncadd.s32 $0xFFFF9C00  }
0x14: {  	v4 =	vld [tilespmem:$0x0]  }
0x15: {  	v5 =	vld [tilespmem:$0x10]  }
0x16: {  	v6 =	vld [tilespmem:$0x20]  }
0x17: {  	v7 =	vld [tilespmem:$0x30]  }
0x18: {  	v8 =	vld [tilespmem:$0x40]  }
0x19: {  	v9 =	vld [tilespmem:$0x50];
	v4 =	vshrl.u32 v4, $0x1  }
0x1a: {  	[tilespmem:$0x6400] =	vst v4;
	v4 =	vshrl.u32 v5, $0x1;
	v5 =	vld [tilespmem:$0x60]  }
0x1b: {  	v63 =	vld [tilespmem:$0x70];
	[tilespmem:$0x6410] =	vst v4;
	v4 =	vshrl.u32 v6, $0x1  }
0x1c: {  	[tilespmem:$0x6420] =	vst v4;
	v4 =	vshrl.u32 v7, $0x1  }
0x1d: {  	[tilespmem:$0x6430] =	vst v4;
	v4 =	vshrl.u32 v8, $0x1  }
0x1e: {  	[tilespmem:$0x6440] =	vst v4;
	v4 =	vshrl.u32 v9, $0x1  }
0x1f: {  	[tilespmem:$0x6450] =	vst v4;
	v4 =	vshrl.u32 v5, $0x1  }
0x20: {  	[tilespmem:$0x6460] =	vst v4;
	v4 =	vshrl.u32 v63, $0x1  }
0x21: {  	s31 =	simm.s32 $0x6400;
	s22 =	simm.s32 $0x0;
	s23 =	simm.s32 $0x0;
	[tilespmem:$0x6470] =	vst v4  }
0x22: {  	[tilespmem:s12], [sflag:$0x1] =	stream.indirect.gather [hbm4b:s3+s8], $0x80, s31, s8, $0xb8;
	[tilespmem:$0x16500] =	vst v63  }
.LBB2_2:
0x23: {  	p0 =	seq.s32 s23, $0x0  }
0x24: {  	s0 =	sshll.u32 s23, $0x1;
	s1 =	simm.s32 @!p0 $0x4  }
0x25: {  	s24 =	sor.u32 $0x1, s0;
	_ =	swait.ge @!p0 [sflag:s1], $0x4000  }
0x26: {  	s0 =	sshll.u32 s24, $0x7;
	[sflag:s1] =	ssyncset.done @!p0 $0x0  }
0x27: {  	s0 =	sand.u32 $0x3FFFFF80, s0;
	[sflag:s1] =	ssyncadd.s32 @!p0 $0xFFFFC000  }
0x28: {  	v4 =	vld [tilespmem:s0+$0x0];
	_ =	sdelay $0x4  }
0x29: {  	v4 =	vshrl.u32 v4, $0x1  }
0x2a: {  	[tilespmem:$0x6480] =	vst v4  }
0x2b: {  	v4 =	vld [tilespmem:s0+$0x10];
	_ =	sdelay $0x4  }
0x2c: {  	v4 =	vshrl.u32 v4, $0x1  }
0x2d: {  	[tilespmem:$0x6490] =	vst v4  }
0x2e: {  	v4 =	vld [tilespmem:s0+$0x20];
	_ =	sdelay $0x4  }
0x2f: {  	v4 =	vshrl.u32 v4, $0x1  }
0x30: {  	[tilespmem:$0x64A0] =	vst v4  }
0x31: {  	v4 =	vld [tilespmem:s0+$0x30];
	_ =	sdelay $0x4  }
0x32: {  	v4 =	vshrl.u32 v4, $0x1  }
0x33: {  	[tilespmem:$0x64B0] =	vst v4  }
0x34: {  	v4 =	vld [tilespmem:s0+$0x40];
	_ =	sdelay $0x4  }
0x35: {  	v4 =	vshrl.u32 v4, $0x1  }
0x36: {  	[tilespmem:$0x64C0] =	vst v4  }
0x37: {  	v4 =	vld [tilespmem:s0+$0x50];
	_ =	sdelay $0x4  }
0x38: {  	v4 =	vshrl.u32 v4, $0x1  }
0x39: {  	[tilespmem:$0x64D0] =	vst v4  }
0x3a: {  	v4 =	vld [tilespmem:s0+$0x60];
	_ =	sdelay $0x4  }
0x3b: {  	v4 =	vshrl.u32 v4, $0x1  }
0x3c: {  	[tilespmem:$0x64E0] =	vst v4  }
0x3d: {  	v4 =	vld [tilespmem:s0+$0x70];
	_ =	sdelay $0x3  }
0x3e: {  	s31 =	sadd.s32 $0x0, s22  }
0x3f: {  	s5 =	sadd.s32 $0x2, s31;
	v4 =	vshrl.u32 v4, $0x1  }
0x40: {  	[tilespmem:$0x64F0] =	vst v4;
	v4 =	vmov s5  }
0x41: {  	v5 =	vmov s31;
	[tilespmem:s14], [sflag:$0x2] =	stream.indirect.gather [hbm4b:s3+s8], $0x80, s13, s8, $0xb8;
	v4 =	vand.u32 $0xFFFFFFFE, v4;
	[tilespmem:$0x16500] =	vst v63  }
0x42: {  	s7 =	sadd.s32 $0x1, s31;
	v5 =	vand.u32 $0xFFFFFFFC, v5;
	_ =	swait.ge [sflag:s15], $0x4000;
	v4 =	vbroadcast v4, $0x0  }
0x43: {  	v6 =	vmov s7;
	v5 =	vbroadcast v5, $0x0;
	[sflag:s15] =	ssyncset.done $0x0  }
0x44: {  	v6 =	vand.u32 $0xFFFFFFFD, v6;
	s1 =	simm.s32 @!p0 $0x3;
	[sflag:s15] =	ssyncadd.s32 $0xFFFFC000  }
0x45: {  	v6 =	vbroadcast v6, $0x0;
	_ =	swait.ge @!p0 [sflag:s1], $0x4000  }
0x46: {  	[sflag:s1] =	ssyncset.done @!p0 $0x0  }
0x47: {  	[sflag:s1] =	ssyncadd.s32 @!p0 $0xFFFFC000  }
0x48: {  	v4 =	vld.idx.msk [tilespmem:v4+s2+$0x0], $0xffff  }
0x49: {  	s0 =	sadd.s32 $0x3, s31;
	v5 =	vld.idx.msk [tilespmem:v5+s2+$0x0], $0xffff  }
0x4a: {  	v7 =	vmov s0  }
0x4b: {  	s25 =	sadd.s32 $0x4, s22;
	v6 =	vld.idx.msk [tilespmem:v6+s2+$0x0], $0xffff  }
0x4c: {  	v10 =	vmov s25  }
0x4d: {  	v10 =	vand.u32 $0xFFFFFFFC, v10;
	v4 =	vshll.u32 v4, $0x6  }
0x4e: {  	s9 =	simm.s32 $0x100;
	v10 =	vbroadcast v10, $0x0;
	v5 =	vshll.u32 v5, $0x6;
	v4 =	vand.u32 $0x40, v4  }
0x4f: {  	s11 =	simm.s32 $0x0;
	v7 =	vld.idx.msk [tilespmem:v7+s2+$0x0], $0xffff;
	v5 =	vand.u32 $0x40, v5;
	v9 =	vor.u32 s9, v4  }
0x50: {  	v4 =	vor.u32 s11, v5;
	v5 =	vshll.u32 v6, $0x6;
	s9 =	sadd.s32 $0x2, s25;
	v6 =	vor.u32 v0, v9  }
0x51: {  	s31 =	simm.s32 $0x80;
	s5 =	sadd.s32 $0x1, s25;
	v5 =	vand.u32 $0x40, v5;
	v8 =	vor.u32 v0, v4;
	v11 =	vmov s9  }
0x52: {  	v13 =	vmov s5;
	v5 =	vor.u32 s31, v5;
	v11 =	vand.u32 $0xFFFFFFFE, v11  }
0x53: {  	v13 =	vand.u32 $0xFFFFFFFD, v13;
	v12 =	vor.u32 v0, v5;
	v11 =	vbroadcast v11, $0x0  }
0x54: {  	v13 =	vbroadcast v13, $0x0;
	v10 =	vld.idx.msk [tilespmem:v10+s2+$0x0], $0xffff;
	v7 =	vshll.u32 v7, $0x6  }
0x55: {  	s7 =	simm.s32 $0x180;
	v7 =	vand.u32 $0x40, v7;
	v6 =	vld.idx.msk [tilespmem:v6+s12+$0x0], $0xffff  }
0x56: {  	v14 =	vld.idx.msk [tilespmem:v8+s12+$0x0], $0xffff;
	v8 =	vor.u32 s7, v7  }
0x57: {  	v16 =	vor.u32 v0, v8  }
0x58: {  	v15 =	vor.u32 v1, v9;
	v12 =	vld.idx.msk [tilespmem:v12+s12+$0x0], $0xffff  }
0x59: {  	v11 =	vld.idx.msk [tilespmem:v11+s2+$0x0], $0xffff  }
0x5a: {  	v13 =	vld.idx.msk [tilespmem:v13+s2+$0x0], $0xffff;
	v6 =	vmul.f32 $8.000000000e+00, v6  }
0x5b: {  	s26 =	simm.s32 $0xE600;
	v7 =	vshll.u32 v10, $0x6  }
0x5c: {  	v18 =	vor.u32 v1, v4;
	s9 =	simm.s32 $0x200;
	v7 =	vand.u32 $0x40, v7;
	v16 =	vld.idx.msk [tilespmem:v16+s12+$0x0], $0xffff;
	[tilespmem:s26+$0x0] =	vst v6  }
0x5d: {  	s0 =	sadd.s32 $0x3, s25;
	v17 =	vor.u32 v1, v5;
	v7 =	vor.u32 s9, v7;
	v12 =	vmul.f32 $8.000000000e+00, v12;
	v15 =	vld.idx.msk [tilespmem:v15+s12+$0x0], $0xffff  }
0x5e: {  	v14 =	vmul.f32 $8.000000000e+00, v14;
	v6 =	vmov s0;
	v10 =	vshll.u32 v11, $0x6  }
0x5f: {  	v13 =	vshll.u32 v13, $0x6;
	s11 =	simm.s32 $0x300;
	v10 =	vand.u32 $0x40, v10;
	[tilespmem:s26+$0xFFFFFF80] =	vst v12;
	v12 =	vor.u32 v0, v7  }
0x60: {  	s25 =	simm.s32 $0x280;
	v13 =	vand.u32 $0x40, v13;
	v22 =	vor.u32 v1, v8;
	[tilespmem:s26+$0xFFFFFF00] =	vst v14;
	v10 =	vor.u32 s11, v10  }
0x61: {  	v13 =	vor.u32 s25, v13;
	s31 =	sadd.s32 $0x8, s22;
	v18 =	vld.idx.msk [tilespmem:v18+s12+$0x0], $0xffff;
	v19 =	vor.u32 v0, v10;
	v16 =	vmul.f32 $8.000000000e+00, v16  }
0x62: {  	v20 =	vmov s31;
	s5 =	sadd.s32 $0x2, s31;
	v11 =	vor.u32 v2, v9;
	v14 =	vld.idx.msk [tilespmem:v17+s12+$0x0], $0xffff;
	v15 =	vmul.f32 $8.000000000e+00, v15  }
0x63: {  	v20 =	vand.u32 $0xFFFFFFFC, v20;
	v21 =	vmov s5;
	v17 =	vor.u32 v0, v13;
	v6 =	vld.idx.msk [tilespmem:v6+s2+$0x0], $0xffff;
	[tilespmem:s26+$0x80] =	vst v16  }
0x64: {  	v26 =	vor.u32 v2, v4;
	s7 =	sadd.s32 $0x1, s31;
	v12 =	vld.idx.msk [tilespmem:v12+s12+$0x0], $0xffff;
	[tilespmem:s26+$0x10] =	vst v15;
	v15 =	vbroadcast v20, $0x0;
	v20 =	vand.u32 $0xFFFFFFFE, v21  }
0x65: {  	s1 =	sadd.s32 $0x3, s31;
	v22 =	vld.idx.msk [tilespmem:v22+s12+$0x0], $0xffff;
	v21 =	vmov s7;
	s7 =	sadd.s32 $0xC, s22;
	v20 =	vbroadcast v20, $0x0  }
0x66: {  	v23 =	vmov s1;
	v18 =	vmul.f32 $8.000000000e+00, v18;
	v21 =	vand.u32 $0xFFFFFFFD, v21;
	v19 =	vld.idx.msk [tilespmem:v19+s12+$0x0], $0xffff;
	s1 =	sadd.s32 $0x3, s7  }
0x67: {  	v11 =	vld.idx.msk [tilespmem:v11+s12+$0x0], $0xffff;
	v21 =	vbroadcast v21, $0x0;
	v32 =	vmov s1  }
0x68: {  	v17 =	vld.idx.msk [tilespmem:v17+s12+$0x0], $0xffff;
	[tilespmem:s26+$0xFFFFFF10] =	vst v18  }
0x69: {  	v16 =	vor.u32 v1, v10;
	v26 =	vld.idx.msk [tilespmem:v26+s12+$0x0], $0xffff;
	v6 =	vshll.u32 v6, $0x6  }
0x6a: {  	v30 =	vor.u32 v3, v4;
	s9 =	simm.s32 $0x380;
	v9 =	vor.u32 v3, v9;
	v6 =	vand.u32 $0x40, v6;
	v15 =	vld.idx.msk [tilespmem:v15+s2+$0x0], $0xffff  }
0x6b: {  	v27 =	vor.u32 v1, v13;
	v24 =	vor.u32 s9, v6;
	v19 =	vmul.f32 $8.000000000e+00, v19;
	v6 =	vld.idx.msk [tilespmem:v20+s2+$0x0], $0xffff  }
0x6c: {  	s25 =	simm.s32 $0xE800;
	v31 =	vor.u32 v3, v8;
	v14 =	vmul.f32 $8.000000000e+00, v14;
	v11 =	vmul.f32 $8.000000000e+00, v11;
	v32 =	vld.idx.msk [tilespmem:v32+s2+$0x0], $0xffff  }
0x6d: {  	v12 =	vmul.f32 $8.000000000e+00, v12;
	v22 =	vmul.f32 $8.000000000e+00, v22;
	v20 =	vor.u32 v2, v5;
	v21 =	vld.idx.msk [tilespmem:v21+s2+$0x0], $0xffff;
	[tilespmem:s25+$0x0] =	vst v19  }
0x6e: {  	v25 =	vor.u32 v0, v24;
	v29 =	vor.u32 v1, v24;
	v26 =	vmul.f32 $8.000000000e+00, v26;
	[tilespmem:s26+$0x20] =	vst v11;
	v11 =	vld.idx.msk [tilespmem:v16+s12+$0x0], $0xffff  }
0x6f: {  	v34 =	vor.u32 v2, v24;
	v5 =	vor.u32 v3, v5;
	v19 =	vor.u32 v1, v7;
	v28 =	vld.idx.msk [tilespmem:v9+s12+$0x0], $0xffff  }
0x70: {  	[tilespmem:s26+$0xFFFFFF20] =	vst v26;
	v16 =	vor.u32 v2, v8;
	v9 =	vmul.f32 $8.000000000e+00, v17;
	v17 =	vld.idx.msk [tilespmem:v23+s2+$0x0], $0xffff;
	v15 =	vshll.u32 v15, $0x6  }
0x71: {  	s11 =	simm.s32 $0x400;
	[tilespmem:s26+$0xFFFFFF90] =	vst v14;
	v23 =	vor.u32 v2, v10;
	v30 =	vld.idx.msk [tilespmem:v30+s12+$0x0], $0xffff;
	v6 =	vshll.u32 v6, $0x6;
	v15 =	vand.u32 $0x40, v15  }
0x72: {  	s31 =	simm.s32 $0x500;
	[tilespmem:s25+$0xFFFFFF00] =	vst v12;
	v20 =	vld.idx.msk [tilespmem:v20+s12+$0x0], $0xffff;
	v6 =	vand.u32 $0x40, v6;
	v15 =	vor.u32 s11, v15;
	v21 =	vshll.u32 v21, $0x6  }
0x73: {  	[tilespmem:s25+$0xFFFFFF80] =	vst v9;
	v9 =	vld.idx.msk [tilespmem:v25+s12+$0x0], $0xffff;
	v6 =	vor.u32 s31, v6;
	v11 =	vmul.f32 $8.000000000e+00, v11;
	v18 =	vor.u32 v0, v15  }
0x74: {  	s5 =	simm.s32 $0x480;
	[tilespmem:s26+$0x90] =	vst v22;
	v25 =	vmov s7;
	v14 =	vld.idx.msk [tilespmem:v19+s12+$0x0], $0xffff;
	v19 =	vand.u32 $0x40, v21;
	v21 =	vor.u32 v0, v6  }
0x75: {  	s9 =	sadd.s32 $0x2, s7;
	v8 =	vor.u32 v2, v13;
	v12 =	vld.idx.msk [tilespmem:v27+s12+$0x0], $0xffff;
	v19 =	vor.u32 s5, v19;
	[tilespmem:s25+$0x10] =	vst v11;
	v11 =	vand.u32 $0xFFFFFFFC, v25  }
0x76: {  	s11 =	sadd.s32 $0x1, s7;
	v16 =	vld.idx.msk [tilespmem:v16+s12+$0x0], $0xffff;
	v27 =	vor.u32 v0, v19;
	v25 =	vmov s9;
	v11 =	vbroadcast v11, $0x0  }
0x77: {  	v22 =	vld.idx.msk [tilespmem:v23+s12+$0x0], $0xffff;
	v23 =	vand.u32 $0xFFFFFFFE, v25;
	v25 =	vmov s11;
	v20 =	vmul.f32 $8.000000000e+00, v20  }
0x78: {  	v9 =	vmul.f32 $8.000000000e+00, v9;
	v23 =	vbroadcast v23, $0x0;
	v25 =	vand.u32 $0xFFFFFFFD, v25;
	v18 =	vld.idx.msk [tilespmem:v18+s12+$0x0], $0xffff  }
0x79: {  	v4 =	vbroadcast v25, $0x0;
	v25 =	vor.u32 v3, v10;
	v10 =	vshll.u32 v17, $0x6;
	[tilespmem:s26+$0xFFFFFFA0] =	vst v20;
	v21 =	vld.idx.msk [tilespmem:v21+s12+$0x0], $0xffff  }
0x7a: {  	s31 =	simm.s32 $0x580;
	v49 =	vor.u32 v2, v6;
	v12 =	vmul.f32 $8.000000000e+00, v12;
	[tilespmem:s25+$0x80] =	vst v9;
	v9 =	vand.u32 $0x40, v10;
	v51 =	vld.idx.msk [tilespmem:v5+s12+$0x0], $0xffff  }
0x7b: {  	v14 =	vmul.f32 $8.000000000e+00, v14;
	v16 =	vmul.f32 $8.000000000e+00, v16;
	v17 =	vld.idx.msk [tilespmem:v27+s12+$0x0], $0xffff;
	v33 =	vor.u32 s31, v9  }
0x7c: {  	v5 =	vor.u32 v3, v15;
	v10 =	vmul.f32 $8.000000000e+00, v22;
	v22 =	vld.idx.msk [tilespmem:v29+s12+$0x0], $0xffff;
	v35 =	vor.u32 v0, v33  }
0x7d: {  	v27 =	vor.u32 v1, v6;
	v9 =	vor.u32 v3, v7;
	v29 =	vor.u32 v2, v7;
	v11 =	vld.idx.msk [tilespmem:v11+s2+$0x0], $0xffff  }
0x7e: {  	s11 =	sadd.s32 $0x10, s22;
	[tilespmem:s25+$0xFFFFFF90] =	vst v12;
	v7 =	vor.u32 v3, v24;
	v24 =	vmul.f32 $8.000000000e+00, v28;
	v28 =	vor.u32 v1, v15;
	v36 =	vld.idx.msk [tilespmem:v23+s2+$0x0], $0xffff  }
0x7f: {  	s31 =	sadd.s32 $0x2, s11;
	v37 =	vor.u32 v1, v33;
	[tilespmem:s25+$0x20] =	vst v10;
	v10 =	vor.u32 v3, v13;
	v21 =	vmul.f32 $8.000000000e+00, v21;
	v4 =	vld.idx.msk [tilespmem:v4+s2+$0x0], $0xffff  }
0x80: {  	s28 =	simm.s32 $0xEA00;
	[tilespmem:s25+$0xFFFFFF10] =	vst v14;
	v38 =	vmul.f32 $8.000000000e+00, v18;
	v18 =	vor.u32 v2, v15;
	v15 =	vmov s31;
	v25 =	vld.idx.msk [tilespmem:v25+s12+$0x0], $0xffff  }
0x81: {  	v13 =	vor.u32 v1, v19;
	v15 =	vand.u32 $0xFFFFFFFE, v15;
	v17 =	vmul.f32 $8.000000000e+00, v17;
	[tilespmem:s28+$0x0] =	vst v21;
	v35 =	vld.idx.msk [tilespmem:v35+s12+$0x0], $0xffff  }
0x82: {  	[tilespmem:s26+$0xA0] =	vst v16;
	v15 =	vbroadcast v15, $0x0;
	v21 =	vor.u32 v2, v19;
	v27 =	vld.idx.msk [tilespmem:v27+s12+$0x0], $0xffff;
	v11 =	vshll.u32 v11, $0x6  }
0x83: {  	s5 =	simm.s32 $0x600;
	v14 =	vld.idx.msk [tilespmem:v8+s12+$0x0], $0xffff;
	v22 =	vmul.f32 $8.000000000e+00, v22;
	[tilespmem:s28+$0xFFFFFF80] =	vst v17;
	v17 =	vshll.u32 v36, $0x6;
	v11 =	vand.u32 $0x40, v11  }
0x84: {  	s7 =	simm.s32 $0x700;
	v31 =	vld.idx.msk [tilespmem:v31+s12+$0x0], $0xffff;
	[tilespmem:s28+$0xFFFFFF00] =	vst v38;
	v12 =	vand.u32 $0x40, v17;
	v11 =	vor.u32 s5, v11;
	v4 =	vshll.u32 v4, $0x6  }
0x85: {  	[tilespmem:s26+$0x30] =	vst v24;
	v28 =	vld.idx.msk [tilespmem:v28+s12+$0x0], $0xffff;
	s5 =	sadd.s32 $0x1, s11;
	v24 =	vmul.f32 $8.000000000e+00, v25;
	v17 =	vor.u32 s7, v12;
	v4 =	vand.u32 $0x40, v4  }
0x86: {  	v13 =	vld.idx.msk [tilespmem:v13+s12+$0x0], $0xffff;
	v20 =	vor.u32 v0, v11;
	v52 =	vmov s5;
	v12 =	vor.u32 v0, v17  }
0x87: {  	s9 =	simm.s32 $0x680;
	[tilespmem:s25+$0x90] =	vst v22;
	v22 =	vld.idx.msk [tilespmem:v29+s12+$0x0], $0xffff;
	v25 =	vand.u32 $0xFFFFFFFD, v52;
	v53 =	vmul.f32 $8.000000000e+00, v35;
	v8 =	vmul.f32 $8.000000000e+00, v27  }
0x88: {  	v29 =	vld.idx.msk [tilespmem:v34+s12+$0x0], $0xffff;
	v27 =	vor.u32 s9, v4;
	v4 =	vor.u32 v3, v19;
	v19 =	vmov s11  }
0x89: {  	v40 =	vld.idx.msk [tilespmem:v15+s2+$0x0], $0xffff;
	v25 =	vbroadcast v25, $0x0;
	v50 =	vor.u32 v0, v27;
	[tilespmem:s28+$0x10] =	vst v8;
	v8 =	vand.u32 $0xFFFFFFFC, v19  }
0x8a: {  	v16 =	vshll.u32 v32, $0x6;
	v19 =	vld.idx.msk [tilespmem:v49+s12+$0x0], $0xffff;
	v26 =	vbroadcast v8, $0x0  }
0x8b: {  	v6 =	vor.u32 v3, v6;
	v16 =	vand.u32 $0x40, v16;
	v42 =	vmul.f32 $8.000000000e+00, v14;
	s7 =	sadd.s32 $0x3, s11;
	[tilespmem:s28+$0x80] =	vst v53;
	v12 =	vld.idx.msk [tilespmem:v12+s12+$0x0], $0xffff  }
0x8c: {  	v23 =	vor.u32 v2, v33;
	v62 =	vmul.f32 $8.000000000e+00, v51;
	v55 =	vmov s7;
	v58 =	vld.idx.msk [tilespmem:v37+s12+$0x0], $0xffff  }
0x8d: {  	[tilespmem:s25+$0xFFFFFFA0] =	vst v42;
	v59 =	vor.u32 v1, v11;
	v56 =	vor.u32 v1, v17;
	v28 =	vmul.f32 $8.000000000e+00, v28;
	s9 =	simm.s32 $0x780;
	v20 =	vld.idx.msk [tilespmem:v20+s12+$0x0], $0xffff  }
0x8e: {  	[tilespmem:s25+$0x30] =	vst v24;
	v13 =	vmul.f32 $8.000000000e+00, v13;
	v24 =	vor.u32 v1, v27;
	v16 =	vor.u32 s9, v16;
	v54 =	vld.idx.msk [tilespmem:v50+s12+$0x0], $0xffff  }
0x8f: {  	v15 =	vor.u32 v2, v27;
	[tilespmem:s28+$0xFFFFFF10] =	vst v28;
	v22 =	vmul.f32 $8.000000000e+00, v22;
	v43 =	vld.idx.msk [tilespmem:v25+s2+$0x0], $0xffff;
	v57 =	vmul.f32 $8.000000000e+00, v19  }
0x90: {  	v14 =	vor.u32 v3, v27;
	v28 =	vmul.f32 $8.000000000e+00, v30;
	[tilespmem:s28+$0xFFFFFF90] =	vst v13;
	v26 =	vld.idx.msk [tilespmem:v26+s2+$0x0], $0xffff;
	v41 =	vmul.f32 $8.000000000e+00, v12  }
0x91: {  	s29 =	simm.s32 $0xEC00;
	v27 =	vmul.f32 $8.000000000e+00, v31;
	v39 =	vor.u32 v0, v16;
	v61 =	vmul.f32 $8.000000000e+00, v29;
	v34 =	vld.idx.msk [tilespmem:v55+s2+$0x0], $0xffff;
	[tilespmem:s28+$0x20] =	vst v57  }
0x92: {  	v8 =	vor.u32 v3, v33;
	v13 =	vor.u32 v2, v16;
	v29 =	vshll.u32 v40, $0x6;
	v35 =	vld.idx.msk [tilespmem:v6+s12+$0x0], $0xffff;
	[tilespmem:s29+$0x0] =	vst v41  }
0x93: {  	[tilespmem:s26+$0xFFFFFFB0] =	vst v62;
	v30 =	vand.u32 $0x40, v29;
	v19 =	vor.u32 v1, v16;
	v20 =	vmul.f32 $8.000000000e+00, v20;
	v60 =	vld.idx.msk [tilespmem:v56+s12+$0x0], $0xffff  }
0x94: {  	[tilespmem:s25+$0xFFFFFF20] =	vst v22;
	v21 =	vld.idx.msk [tilespmem:v21+s12+$0x0], $0xffff;
	v25 =	vmul.f32 $8.000000000e+00, v54;
	v6 =	vor.u32 v3, v16;
	v22 =	vshll.u32 v43, $0x6  }
0x95: {  	[tilespmem:s29+$0xFFFFFF00] =	vst v20;
	v16 =	vmul.f32 $8.000000000e+00, v58;
	v63 =	vand.u32 $0x40, v22;
	v22 =	vld.idx.msk [tilespmem:v18+s12+$0x0], $0xffff;
	v20 =	vshll.u32 v26, $0x6  }
0x96: {  	s31 =	simm.s32 $0x900;
	s11 =	simm.s32 $0x800;
	v29 =	vor.u32 v2, v17;
	v12 =	vor.u32 v2, v11;
	[tilespmem:s29+$0xFFFFFF80] =	vst v25;
	v26 =	vld.idx.msk [tilespmem:v39+s12+$0x0], $0xffff;
	v20 =	vand.u32 $0x40, v20  }
0x97: {  	[tilespmem:s28+$0x90] =	vst v16;
	v25 =	vld.idx.msk [tilespmem:v24+s12+$0x0], $0xffff;
	v31 =	vmul.f32 $8.000000000e+00, v35;
	v16 =	vor.u32 s11, v20;
	v20 =	vor.u32 s31, v30  }
0x98: {  	s30 =	simm.s32 $0x14;
	[tilespmem:s25+$0xA0] =	vst v61;
	v11 =	vor.u32 v3, v11;
	v24 =	vld.idx.msk [tilespmem:v59+s12+$0x0], $0xffff;
	s11 =	simm.s32 $0x880;
	v30 =	vor.u32 v0, v20;
	v33 =	vmul.f32 $8.000000000e+00, v60  }
0x99: {  	s0 =	simm.s32 $0x18;
	s1 =	simm.s32 $0x980;
	s9 =	sadd.s32 $0x14, s22;
	v32 =	vshll.u32 v34, $0x6;
	v23 =	vld.idx.msk [tilespmem:v23+s12+$0x0], $0xffff;
	v18 =	vor.u32 s11, v63;
	[tilespmem:s28+$0x30] =	vst v31;
	v31 =	vor.u32 v0, v16  }
.LBB2_3:
0x9a: {  	p0 =	slt.u32 s0, $0x7C;
	v34 =	vmov s9;
	s11 =	sadd.s32 $0x1, s9;
	s31 =	sadd.s32 $0x2, s9;
	v35 =	vor.u32 v0, v18;
	v32 =	vand.u32 $0x40, v32;
	[tilespmem:s29+$0x10] =	vst v33;
	v33 =	vld.idx.msk [tilespmem:v10+s12+$0x0], $0xffff;
	v10 =	vmovc v4;
	v4 =	vmovc v14  }
0x9b: {  	s9 =	sadd.s32 $0x3, s9;
	v14 =	vand.u32 $0xFFFFFFFC, v34;
	v34 =	vmov s11;
	v36 =	vmov s31;
	v29 =	vld.idx.msk [tilespmem:v29+s12+$0x0], $0xffff;
	[tilespmem:s26+$0xFFFFFF30] =	vst v28  }
0x9c: {  	v14 =	vbroadcast v14, $0x0;
	v28 =	vand.u32 $0xFFFFFFFD, v34;
	v34 =	vand.u32 $0xFFFFFFFE, v36;
	v36 =	vld.idx.msk [tilespmem:v9+s12+$0x0], $0xffff;
	[tilespmem:s26+$0xB0] =	vst v27;
	v9 =	vmovc v5;
	v5 =	vmovc v11;
	s26 =	smov.u32 s25;
	s25 =	smov.u32 s28;
	s28 =	smov.u32 s29  }
0x9d: {  	v27 =	vbroadcast v28, $0x0;
	v11 =	vbroadcast v34, $0x0;
	v34 =	vmov s9;
	v28 =	vld.idx.msk [tilespmem:v30+s12+$0x0], $0xffff  }
0x9e: {  	v26 =	vmul.f32 $8.000000000e+00, v26;
	v32 =	vor.u32 s1, v32;
	v30 =	vld.idx.msk [tilespmem:v31+s12+$0x0], $0xffff;
	v31 =	vor.u32 v1, v18  }
0x9f: {  	v37 =	vor.u32 v1, v16;
	v17 =	vor.u32 v3, v17;
	v38 =	vor.u32 v0, v32;
	v35 =	vld.idx.msk [tilespmem:v35+s12+$0x0], $0xffff  }
0xa0: {  	v25 =	vmul.f32 $8.000000000e+00, v25;
	v24 =	vmul.f32 $8.000000000e+00, v24;
	v39 =	vor.u32 v1, v32;
	[tilespmem:s29+$0x80] =	vst v26;
	v26 =	vld.idx.msk [tilespmem:v7+s12+$0x0], $0xffff;
	v7 =	vmovc v8  }
0xa1: {  	v40 =	vor.u32 v2, v18;
	v41 =	vor.u32 v1, v20;
	v44 =	vmul.f32 $8.000000000e+00, v29;
	v29 =	vld.idx.msk [tilespmem:v19+s12+$0x0], $0xffff;
	v19 =	vmovc v39  }
0xa2: {  	v42 =	vor.u32 v2, v16;
	v43 =	vor.u32 v2, v32;
	v21 =	vmul.f32 $8.000000000e+00, v21;
	v39 =	vld.idx.msk [tilespmem:v14+s2+$0x0], $0xffff;
	[tilespmem:s29+$0xFFFFFF90] =	vst v25  }
0xa3: {  	v22 =	vmul.f32 $8.000000000e+00, v22;
	v8 =	vmovc v6;
	v14 =	vor.u32 v3, v18;
	v18 =	vmul.f32 $8.000000000e+00, v28;
	v25 =	vld.idx.msk [tilespmem:v11+s2+$0x0], $0xffff;
	[tilespmem:s29+$0x20] =	vst v44  }
0xa4: {  	v23 =	vmul.f32 $8.000000000e+00, v23;
	v28 =	vmul.f32 $8.000000000e+00, v30;
	v11 =	vor.u32 v3, v16;
	s29 =	sadd.s32 $0x200, s29;
	[tilespmem:s28+$0xFFFFFF10] =	vst v24;
	v16 =	vld.idx.msk [tilespmem:v17+s12+$0x0], $0xffff;
	v17 =	vmovc v20  }
0xa5: {  	v6 =	vor.u32 v3, v32;
	v24 =	vmul.f32 $8.000000000e+00, v35;
	v35 =	vmul.f32 $8.000000000e+00, v33;
	v20 =	vld.idx.msk [tilespmem:v27+s2+$0x0], $0xffff;
	[tilespmem:s29+$0x0] =	vst v18  }
0xa6: {  	v27 =	vmul.f32 $8.000000000e+00, v26;
	[tilespmem:s29+$0xFFFFFF00] =	vst v28;
	v18 =	vld.idx.msk [tilespmem:v41+s12+$0x0], $0xffff;
	v28 =	vmul.f32 $8.000000000e+00, v36  }
0xa7: {  	v32 =	vld.idx.msk [tilespmem:v34+s2+$0x0], $0xffff;
	[tilespmem:s29+$0xFFFFFF80] =	vst v24;
	v24 =	vmul.f32 $8.000000000e+00, v29  }
0xa8: {  	v29 =	vshll.u32 v39, $0x6;
	v26 =	vld.idx.msk [tilespmem:v38+s12+$0x0], $0xffff;
	[tilespmem:s25+$0xFFFFFFA0] =	vst v21  }
.Ltmp0:
0xa9: {  	s9 =	sshll.u32 s30, $0x7;
	s30 =	smov.u32 s0;
	v21 =	vand.u32 $0x40, v29;
	v29 =	vshll.u32 v25, $0x6;
	v25 =	vld.idx.msk [tilespmem:v31+s12+$0x0], $0xffff;
	[tilespmem:s28+$0x90] =	vst v24;
	(pc) =	sbr.rel @p0 .LBB2_3-.Ltmp0, $4  }
0xaa: {  	s11 =	sadd.s32 $0x80, s9;
	s31 =	sadd.s32 $0x100, s9;
	s1 =	sadd.s32 $0x180, s9;
	v30 =	vand.u32 $0x40, v29;
	v29 =	vor.u32 v2, v17;
	v31 =	vmul.f32 $8.000000000e+00, v16;
	v24 =	vld.idx.msk [tilespmem:v37+s12+$0x0], $0xffff;
	[tilespmem:s25+$0xFFFFFF20] =	vst v22  }
0xab: {  	v16 =	vor.u32 s9, v21;
	v22 =	vshll.u32 v20, $0x6;
	v20 =	vor.u32 s31, v30;
	v21 =	vld.idx.msk [tilespmem:v15+s12+$0x0], $0xffff;
	[tilespmem:s25+$0xA0] =	vst v23;
	v15 =	vmovc v40  }
0xac: {  	v23 =	vand.u32 $0x40, v22;
	v30 =	vor.u32 v0, v20;
	v33 =	vmul.f32 $8.000000000e+00, v18;
	v22 =	vld.idx.msk [tilespmem:v12+s12+$0x0], $0xffff;
	[tilespmem:s28+$0x30] =	vst v31;
	v12 =	vmovc v42  }
0xad: {  	s0 =	sadd.s32 $0x4, s0;
	s9 =	sadd.s32 s30, s22;
	v31 =	vor.u32 v0, v16;
	v18 =	vor.u32 s11, v23;
	v32 =	vshll.u32 v32, $0x6;
	v23 =	vld.idx.msk [tilespmem:v13+s12+$0x0], $0xffff;
	[tilespmem:s26+$0xFFFFFFB0] =	vst v35;
	v13 =	vmovc v43  }
0xae: {  	_ = 	snop  }
0xaf: {  	s0 =	sadd.s32 $0x2, s9;
	v35 =	vmov s9  }
0xb0: {  	v41 =	vor.u32 v0, v18;
	v34 =	vmov s0;
	v35 =	vand.u32 $0xFFFFFFFC, v35  }
0xb1: {  	v34 =	vand.u32 $0xFFFFFFFE, v34;
	v35 =	vbroadcast v35, $0x0  }
0xb2: {  	[tilespmem:s29+$0x10] =	vst v33;
	v30 =	vld.idx.msk [tilespmem:v30+s12+$0x0], $0xffff;
	v34 =	vbroadcast v34, $0x0  }
0xb3: {  	v26 =	vmul.f32 $8.000000000e+00, v26;
	[tilespmem:s26+$0xFFFFFF30] =	vst v28;
	v28 =	vld.idx.msk [tilespmem:v31+s12+$0x0], $0xffff  }
0xb4: {  	v29 =	vld.idx.msk [tilespmem:v29+s12+$0x0], $0xffff  }
0xb5: {  	s7 =	sadd.s32 $0x1, s9;
	v25 =	vmul.f32 $8.000000000e+00, v25;
	[tilespmem:s29+$0x80] =	vst v26;
	v26 =	vor.u32 v1, v20;
	v31 =	vld.idx.msk [tilespmem:v41+s12+$0x0], $0xffff  }
0xb6: {  	[tilespmem:s26+$0xB0] =	vst v27;
	v36 =	vmov s7;
	v24 =	vmul.f32 $8.000000000e+00, v24;
	v19 =	vld.idx.msk [tilespmem:v19+s12+$0x0], $0xffff  }
0xb7: {  	v36 =	vand.u32 $0xFFFFFFFD, v36;
	[tilespmem:s29+$0xFFFFFF90] =	vst v25;
	v25 =	vmul.f32 $8.000000000e+00, v30;
	v42 =	vld.idx.msk [tilespmem:v35+s2+$0x0], $0xffff  }
0xb8: {  	s26 =	sadd.s32 $0x200, s29;
	v21 =	vmul.f32 $8.000000000e+00, v21;
	v36 =	vbroadcast v36, $0x0;
	[tilespmem:s29+$0xFFFFFF10] =	vst v24;
	v34 =	vld.idx.msk [tilespmem:v34+s2+$0x0], $0xffff  }
0xb9: {  	s9 =	sadd.s32 $0x3, s9;
	v22 =	vmul.f32 $8.000000000e+00, v22;
	[tilespmem:s26+$0x0] =	vst v25  }
0xba: {  	v43 =	vmov s9;
	[tilespmem:s28+$0xFFFFFFA0] =	vst v21;
	v26 =	vld.idx.msk [tilespmem:v26+s12+$0x0], $0xffff;
	v24 =	vmul.f32 $8.000000000e+00, v31  }
0xbb: {  	v9 =	vld.idx.msk [tilespmem:v9+s12+$0x0], $0xffff;
	[tilespmem:s28+$0xFFFFFF20] =	vst v22;
	v27 =	vmul.f32 $8.000000000e+00, v29  }
0xbc: {  	v17 =	vor.u32 v3, v17;
	v7 =	vld.idx.msk [tilespmem:v7+s12+$0x0], $0xffff;
	v19 =	vmul.f32 $8.000000000e+00, v19;
	[tilespmem:s26+$0xFFFFFF80] =	vst v24;
	v24 =	vshll.u32 v42, $0x6  }
0xbd: {  	s11 =	sshll.u32 s30, $0x7;
	v15 =	vld.idx.msk [tilespmem:v15+s12+$0x0], $0xffff;
	v28 =	vmul.f32 $8.000000000e+00, v28;
	[tilespmem:s29+$0x20] =	vst v27;
	v30 =	vshll.u32 v34, $0x6;
	v21 =	vand.u32 $0x40, v24  }
0xbe: {  	s5 =	sadd.s32 $0x100, s11;
	v29 =	vand.u32 $0x40, v32;
	v27 =	vld.idx.msk [tilespmem:v36+s2+$0x0], $0xffff;
	[tilespmem:s29+$0x90] =	vst v19;
	v30 =	vand.u32 $0x40, v30;
	v19 =	vor.u32 s11, v21  }
0xbf: {  	[tilespmem:s26+$0xFFFFFF00] =	vst v28;
	v28 =	vld.idx.msk [tilespmem:v43+s2+$0x0], $0xffff;
	v22 =	vmul.f32 $8.000000000e+00, v26;
	v25 =	vor.u32 s5, v30;
	v26 =	vor.u32 v0, v19  }
0xc0: {  	v44 =	vld.idx.msk [tilespmem:v10+s12+$0x0], $0xffff;
	v10 =	vor.u32 s1, v29;
	v29 =	vor.u32 v0, v25;
	_ =	sdelay $0x1  }
0xc1: {  	v23 =	vmul.f32 $8.000000000e+00, v23;
	v9 =	vmul.f32 $8.000000000e+00, v9;
	v17 =	vld.idx.msk [tilespmem:v17+s12+$0x0], $0xffff;
	v31 =	vor.u32 v0, v10  }
0xc2: {  	v7 =	vmul.f32 $8.000000000e+00, v7;
	v15 =	vmul.f32 $8.000000000e+00, v15;
	v27 =	vshll.u32 v27, $0x6  }
0xc3: {  	s7 =	sadd.s32 $0x80, s11;
	[tilespmem:s25+$0xFFFFFF30] =	vst v9;
	v28 =	vshll.u32 v28, $0x6;
	v24 =	vor.u32 v2, v20;
	v21 =	vand.u32 $0x40, v27;
	v9 =	vld.idx.msk [tilespmem:v26+s12+$0x0], $0xffff  }
0xc4: {  	[tilespmem:s28+$0xA0] =	vst v23;
	v28 =	vand.u32 $0x40, v28;
	s11 =	sadd.s32 $0x180, s11;
	v30 =	vor.u32 v1, v16;
	v21 =	vor.u32 s7, v21;
	v27 =	vld.idx.msk [tilespmem:v29+s12+$0x0], $0xffff  }
0xc5: {  	v12 =	vld.idx.msk [tilespmem:v12+s12+$0x0], $0xffff;
	[tilespmem:s25+$0xB0] =	vst v7;
	v7 =	vor.u32 s11, v28;
	v23 =	vor.u32 v0, v21  }
0xc6: {  	[tilespmem:s29+$0xFFFFFFA0] =	vst v15;
	v17 =	vmul.f32 $8.000000000e+00, v17;
	v28 =	vor.u32 v0, v7;
	v29 =	vld.idx.msk [tilespmem:v31+s12+$0x0], $0xffff  }
0xc7: {  	v4 =	vld.idx.msk [tilespmem:v4+s12+$0x0], $0xffff;
	[tilespmem:s26+$0x10] =	vst v22;
	v22 =	vor.u32 v1, v25;
	v31 =	vmul.f32 $8.000000000e+00, v44  }
0xc8: {  	[tilespmem:s29+$0x30] =	vst v17;
	v17 =	vld.idx.msk [tilespmem:v24+s12+$0x0], $0xffff;
	v9 =	vmul.f32 $8.000000000e+00, v9  }
0xc9: {  	v24 =	vor.u32 v1, v10;
	v30 =	vld.idx.msk [tilespmem:v30+s12+$0x0], $0xffff;
	[tilespmem:s25+$0xFFFFFFB0] =	vst v31;
	s25 =	sadd.s32 $0x200, s26;
	v26 =	vmul.f32 $8.000000000e+00, v27  }
0xca: {  	v12 =	vmul.f32 $8.000000000e+00, v12;
	v23 =	vld.idx.msk [tilespmem:v23+s12+$0x0], $0xffff;
	[tilespmem:s25+$0xFFFFFF00] =	vst v9  }
0xcb: {  	v27 =	vmul.f32 $8.000000000e+00, v29;
	v9 =	vld.idx.msk [tilespmem:v28+s12+$0x0], $0xffff;
	[tilespmem:s25+$0x0] =	vst v26  }
0xcc: {  	v45 =	vor.u32 v1, v18;
	v4 =	vmul.f32 $8.000000000e+00, v4;
	[tilespmem:s29+$0xFFFFFF20] =	vst v12;
	v22 =	vld.idx.msk [tilespmem:v22+s12+$0x0], $0xffff  }
0xcd: {  	v5 =	vld.idx.msk [tilespmem:v5+s12+$0x0], $0xffff;
	v20 =	vor.u32 v3, v20;
	v17 =	vmul.f32 $8.000000000e+00, v17;
	[tilespmem:s26+$0x80] =	vst v27  }
0xce: {  	[tilespmem:s28+$0xFFFFFFB0] =	vst v4;
	v15 =	vor.u32 v1, v7;
	v26 =	vmul.f32 $8.000000000e+00, v30;
	v24 =	vld.idx.msk [tilespmem:v24+s12+$0x0], $0xffff  }
0xcf: {  	v13 =	vld.idx.msk [tilespmem:v13+s12+$0x0], $0xffff;
	[tilespmem:s26+$0x20] =	vst v17;
	v17 =	vmul.f32 $8.000000000e+00, v23;
	v23 =	vor.u32 v2, v25  }
0xd0: {  	v8 =	vld.idx.msk [tilespmem:v8+s12+$0x0], $0xffff;
	[tilespmem:s26+$0xFFFFFF10] =	vst v26;
	v26 =	vor.u32 v1, v21;
	v9 =	vmul.f32 $8.000000000e+00, v9  }
0xd1: {  	v46 =	vld.idx.msk [tilespmem:v45+s12+$0x0], $0xffff;
	[tilespmem:s25+$0xFFFFFF80] =	vst v17;
	v17 =	vmul.f32 $8.000000000e+00, v22;
	v22 =	vor.u32 v1, v19  }
0xd2: {  	v5 =	vmul.f32 $8.000000000e+00, v5;
	v20 =	vld.idx.msk [tilespmem:v20+s12+$0x0], $0xffff;
	[tilespmem:s25+$0x80] =	vst v9  }
0xd3: {  	v12 =	vor.u32 v2, v10;
	v24 =	vmul.f32 $8.000000000e+00, v24;
	v9 =	vld.idx.msk [tilespmem:v15+s12+$0x0], $0xffff;
	[tilespmem:s25+$0x10] =	vst v17  }
0xd4: {  	[tilespmem:s28+$0xFFFFFF30] =	vst v5;
	v13 =	vmul.f32 $8.000000000e+00, v13;
	v17 =	vor.u32 v2, v18;
	v23 =	vld.idx.msk [tilespmem:v23+s12+$0x0], $0xffff  }
0xd5: {  	v8 =	vmul.f32 $8.000000000e+00, v8;
	v26 =	vld.idx.msk [tilespmem:v26+s12+$0x0], $0xffff;
	[tilespmem:s26+$0x90] =	vst v24;
	v24 =	vor.u32 v2, v16  }
0xd6: {  	v5 =	vor.u32 v2, v7;
	[tilespmem:s29+$0xA0] =	vst v13;
	v29 =	vmul.f32 $8.000000000e+00, v46;
	v13 =	vld.idx.msk [tilespmem:v22+s12+$0x0], $0xffff  }
0xd7: {  	[tilespmem:s28+$0xB0] =	vst v8;
	v6 =	vld.idx.msk [tilespmem:v6+s12+$0x0], $0xffff;
	v20 =	vmul.f32 $8.000000000e+00, v20;
	v22 =	vor.u32 v3, v25  }
0xd8: {  	[tilespmem:s26+$0xFFFFFF90] =	vst v29;
	v15 =	vor.u32 v2, v21;
	v12 =	vld.idx.msk [tilespmem:v12+s12+$0x0], $0xffff;
	v9 =	vmul.f32 $8.000000000e+00, v9  }
0xd9: {  	[tilespmem:s26+$0x30] =	vst v20;
	v17 =	vld.idx.msk [tilespmem:v17+s12+$0x0], $0xffff;
	v4 =	vmul.f32 $8.000000000e+00, v23  }
0xda: {  	v20 =	vor.u32 v2, v19;
	v23 =	vld.idx.msk [tilespmem:v24+s12+$0x0], $0xffff;
	v24 =	vmul.f32 $8.000000000e+00, v26;
	[tilespmem:s25+$0x90] =	vst v9  }
0xdb: {  	v5 =	vld.idx.msk [tilespmem:v5+s12+$0x0], $0xffff;
	[tilespmem:s25+$0x20] =	vst v4;
	v4 =	vmul.f32 $8.000000000e+00, v13  }
0xdc: {  	[tilespmem:s25+$0xFFFFFF90] =	vst v24;
	v8 =	vld.idx.msk [tilespmem:v22+s12+$0x0], $0xffff  }
0xdd: {  	v6 =	vmul.f32 $8.000000000e+00, v6;
	[tilespmem:s25+$0xFFFFFF10] =	vst v4;
	v4 =	vld.idx.msk [tilespmem:v15+s12+$0x0], $0xffff;
	v15 =	vor.u32 v3, v16  }
0xde: {  	v13 =	vld.idx.msk [tilespmem:v14+s12+$0x0], $0xffff;
	v14 =	vor.u32 v3, v18;
	v17 =	vmul.f32 $8.000000000e+00, v17  }
0xdf: {  	v10 =	vor.u32 v3, v10;
	[tilespmem:s29+$0xB0] =	vst v6;
	v16 =	vmul.f32 $8.000000000e+00, v23;
	v9 =	vld.idx.msk [tilespmem:v20+s12+$0x0], $0xffff  }
0xe0: {  	v7 =	vor.u32 v3, v7;
	v12 =	vmul.f32 $8.000000000e+00, v12;
	[tilespmem:s26+$0xFFFFFFA0] =	vst v17  }
0xe1: {  	v11 =	vld.idx.msk [tilespmem:v11+s12+$0x0], $0xffff;
	v17 =	vor.u32 v3, v21;
	[tilespmem:s26+$0xFFFFFF20] =	vst v16;
	v8 =	vmul.f32 $8.000000000e+00, v8  }
0xe2: {  	[tilespmem:s26+$0xA0] =	vst v12;
	v5 =	vmul.f32 $8.000000000e+00, v5;
	v16 =	vor.u32 v3, v19;
	v12 =	vld.idx.msk [tilespmem:v15+s12+$0x0], $0xffff  }
0xe3: {  	v4 =	vmul.f32 $8.000000000e+00, v4;
	[tilespmem:s25+$0x30] =	vst v8;
	v8 =	vld.idx.msk [tilespmem:v14+s12+$0x0], $0xffff  }
0xe4: {  	v10 =	vld.idx.msk [tilespmem:v10+s12+$0x0], $0xffff;
	[tilespmem:s25+$0xA0] =	vst v5;
	v9 =	vmul.f32 $8.000000000e+00, v9  }
0xe5: {  	v13 =	vmul.f32 $8.000000000e+00, v13;
	v7 =	vld.idx.msk [tilespmem:v7+s12+$0x0], $0xffff;
	[tilespmem:s25+$0xFFFFFFA0] =	vst v4  }
0xe6: {  	v4 =	vmul.f32 $8.000000000e+00, v11;
	[tilespmem:s25+$0xFFFFFF20] =	vst v9;
	v9 =	vld.idx.msk [tilespmem:v17+s12+$0x0], $0xffff  }
0xe7: {  	[tilespmem:s29+$0xFFFFFFB0] =	vst v13;
	v5 =	vld.idx.msk [tilespmem:v16+s12+$0x0], $0xffff;
	v6 =	vmul.f32 $8.000000000e+00, v12  }
0xe8: {  	[tilespmem:s29+$0xFFFFFF30] =	vst v4;
	v4 =	vmul.f32 $8.000000000e+00, v8  }
0xe9: {  	v8 =	vmul.f32 $8.000000000e+00, v10;
	[tilespmem:s26+$0xFFFFFF30] =	vst v6  }
0xea: {  	v6 =	vmul.f32 $8.000000000e+00, v7;
	[tilespmem:s26+$0xFFFFFFB0] =	vst v4  }
0xeb: {  	v4 =	vmul.f32 $8.000000000e+00, v9;
	[tilespmem:s26+$0xB0] =	vst v8;
	s26 =	sshll.u32 s23, $0xF  }
0xec: {  	p0 =	seq.s32 s23, $0x63;
	v5 =	vmul.f32 $8.000000000e+00, v5;
	s1 =	sadd.s32 s6, s26;
	[tilespmem:s25+$0xB0] =	vst v6  }
0xed: {  	s0 =	sshll.u32 @!p0 s23, $0x8;
	[tilespmem:s25+$0xFFFFFFB0] =	vst v4;
	s1 =	sshrl.u32 s1, $0x3  }
0xee: {  	s0 =	sand.u32 @!p0 $0x3FFFFF00, s0;
	[tilespmem:s25+$0xFFFFFF30] =	vst v5;
	s5 =	sadd.s32 s4, s1  }
0xef: {  	[hbm4b:s5+s2] =	stream.linear.scatter [tilespmem:s16], [sflag:$0x3], $0x4000, $0x38;
	[tilespmem:$0x16500] =	vst v63  }
0xf0: {  	v4 =	vld @!p0 [tilespmem:s0+$0x100];
	_ =	sdelay $0x4  }
0xf1: {  	v4 =	vshrl.u32 @!p0 v4, $0x1  }
0xf2: {  	[tilespmem:$0x6400] =	vst @!p0 v4  }
0xf3: {  	v4 =	vld @!p0 [tilespmem:s0+$0x110];
	_ =	sdelay $0x4  }
0xf4: {  	v4 =	vshrl.u32 @!p0 v4, $0x1  }
0xf5: {  	[tilespmem:$0x6410] =	vst @!p0 v4  }
0xf6: {  	v4 =	vld @!p0 [tilespmem:s0+$0x120];
	_ =	sdelay $0x4  }
0xf7: {  	v4 =	vshrl.u32 @!p0 v4, $0x1  }
0xf8: {  	[tilespmem:$0x6420] =	vst @!p0 v4  }
0xf9: {  	v4 =	vld @!p0 [tilespmem:s0+$0x130];
	_ =	sdelay $0x4  }
0xfa: {  	v4 =	vshrl.u32 @!p0 v4, $0x1  }
0xfb: {  	[tilespmem:$0x6430] =	vst @!p0 v4  }
0xfc: {  	v4 =	vld @!p0 [tilespmem:s0+$0x140];
	_ =	sdelay $0x4  }
0xfd: {  	v4 =	vshrl.u32 @!p0 v4, $0x1  }
0xfe: {  	[tilespmem:$0x6440] =	vst @!p0 v4  }
0xff: {  	v4 =	vld @!p0 [tilespmem:s0+$0x150];
	_ =	sdelay $0x4  }
0x100: {  	v4 =	vshrl.u32 @!p0 v4, $0x1  }
0x101: {  	[tilespmem:$0x6450] =	vst @!p0 v4  }
0x102: {  	v4 =	vld @!p0 [tilespmem:s0+$0x160];
	_ =	sdelay $0x4  }
0x103: {  	v4 =	vshrl.u32 @!p0 v4, $0x1  }
0x104: {  	[tilespmem:$0x6460] =	vst @!p0 v4  }
0x105: {  	v4 =	vld @!p0 [tilespmem:s0+$0x170]  }
0x106: {  	s7 =	sadd.s32 $0x0, s22  }
0x107: {  	s9 =	sadd.s32 $0x82, s7  }
0x108: {  	v5 =	vmov s9  }
0x109: {  	v5 =	vand.u32 $0xFFFFFFFE, v5  }
0x10a: {  	v5 =	vbroadcast v5, $0x0;
	v4 =	vshrl.u32 @!p0 v4, $0x1  }
0x10b: {  	s11 =	simm.s32 @!p0 $0x6500;
	s1 =	simm.s32 @!p0 $0x80;
	s9 =	simm.s32 @!p0 $0x6400;
	[tilespmem:$0x6470] =	vst @!p0 v4  }
0x10c: {  	[tilespmem:s11], [sflag:$0x1] =	stream.indirect.gather @!p0 [hbm4b:s3+s1], $0x80, s9, s1, $0xb8;
	[tilespmem:$0x16500] =	vst v63  }
0x10d: {  	_ =	swait.ge [sflag:s17], $0x4000  }
0x10e: {  	[sflag:s17] =	ssyncset.done $0x0  }
0x10f: {  	[sflag:s17] =	ssyncadd.s32 $0xFFFFC000  }
0x110: {  	v4 =	vld.idx.msk [tilespmem:v5+s2+$0x0], $0xffff;
	_ =	sdelay $0x1  }
0x111: {  	s25 =	sadd.s32 $0x80, s7;
	s1 =	sadd.s32 $0x4, s22  }
0x112: {  	v6 =	vmov s25;
	s11 =	sadd.s32 $0x82, s1  }
0x113: {  	v6 =	vand.u32 $0xFFFFFFFC, v6;
	v5 =	vmov s11  }
0x114: {  	v6 =	vbroadcast v6, $0x0;
	v5 =	vand.u32 $0xFFFFFFFE, v5;
	v4 =	vshll.u32 v4, $0x6  }
0x115: {  	s26 =	simm.s32 $0x100;
	s5 =	sadd.s32 $0x81, s7;
	v5 =	vbroadcast v5, $0x0;
	v4 =	vand.u32 $0x40, v4  }
0x116: {  	v8 =	vmov s5;
	v4 =	vor.u32 s26, v4  }
0x117: {  	v8 =	vand.u32 $0xFFFFFFFD, v8;
	v7 =	vor.u32 v0, v4  }
0x118: {  	v8 =	vbroadcast v8, $0x0  }
0x119: {  	s0 =	sadd.s32 $0x83, s7;
	s7 =	sadd.s32 $0x80, s1  }
0x11a: {  	v10 =	vmov s7;
	v6 =	vld.idx.msk [tilespmem:v6+s2+$0x0], $0xffff  }
0x11b: {  	v9 =	vmov s0;
	v10 =	vand.u32 $0xFFFFFFFC, v10;
	v5 =	vld.idx.msk [tilespmem:v5+s2+$0x0], $0xffff  }
0x11c: {  	v10 =	vbroadcast v10, $0x0;
	v7 =	vld.idx.msk [tilespmem:v7+s14+$0x0], $0xffff  }
0x11d: {  	s11 =	sadd.s32 $0x81, s1  }
0x11e: {  	s7 =	sadd.s32 $0x83, s1;
	v8 =	vld.idx.msk [tilespmem:v8+s2+$0x0], $0xffff;
	s1 =	sadd.s32 $0x8, s22;
	v12 =	vmov s11  }
0x11f: {  	v13 =	vmov s7;
	s9 =	sadd.s32 $0x82, s1;
	v12 =	vand.u32 $0xFFFFFFFD, v12;
	v11 =	vor.u32 v1, v4  }
0x120: {  	v9 =	vld.idx.msk [tilespmem:v9+s2+$0x0], $0xffff;
	v14 =	vmov s9;
	v12 =	vbroadcast v12, $0x0;
	v5 =	vshll.u32 v5, $0x6  }
0x121: {  	s25 =	simm.s32 $0x300;
	v6 =	vshll.u32 v6, $0x6;
	v5 =	vand.u32 $0x40, v5;
	v7 =	vmul.f32 $8.000000000e+00, v7  }
0x122: {  	s5 =	simm.s32 $0x0;
	v14 =	vand.u32 $0xFFFFFFFE, v14;
	v6 =	vand.u32 $0x40, v6;
	v10 =	vld.idx.msk [tilespmem:v10+s2+$0x0], $0xffff;
	s26 =	simm.s32 $0x12600;
	v15 =	vor.u32 s25, v5  }
0x123: {  	s9 =	sadd.s32 $0x81, s1;
	v5 =	vor.u32 s5, v6;
	v6 =	vshll.u32 v8, $0x6;
	v8 =	vor.u32 v0, v15;
	[tilespmem:s26+$0x0] =	vst v7  }
0x124: {  	v24 =	vmov s9;
	v14 =	vbroadcast v14, $0x0;
	v7 =	vld.idx.msk [tilespmem:v11+s14+$0x0], $0xffff  }
0x125: {  	v24 =	vand.u32 $0xFFFFFFFD, v24;
	v9 =	vshll.u32 v9, $0x6;
	v11 =	vor.u32 v0, v5  }
0x126: {  	s11 =	simm.s32 $0x80;
	v24 =	vbroadcast v24, $0x0;
	v9 =	vand.u32 $0x40, v9;
	v6 =	vand.u32 $0x40, v6  }
0x127: {  	v13 =	vld.idx.msk [tilespmem:v13+s2+$0x0], $0xffff;
	v10 =	vshll.u32 v10, $0x6;
	s25 =	simm.s32 $0x180;
	v16 =	vor.u32 s11, v6;
	v6 =	vor.u32 v2, v4  }
0x128: {  	v10 =	vand.u32 $0x40, v10;
	s5 =	simm.s32 $0x200;
	v9 =	vor.u32 s25, v9;
	v8 =	vld.idx.msk [tilespmem:v8+s14+$0x0], $0xffff  }
0x129: {  	v12 =	vld.idx.msk [tilespmem:v12+s2+$0x0], $0xffff;
	v10 =	vor.u32 s5, v10;
	v18 =	vor.u32 v0, v9;
	v7 =	vmul.f32 $8.000000000e+00, v7  }
0x12a: {  	s7 =	sadd.s32 $0x80, s1;
	v20 =	vor.u32 v0, v10;
	v11 =	vld.idx.msk [tilespmem:v11+s14+$0x0], $0xffff  }
0x12b: {  	v19 =	vmov s7;
	v14 =	vld.idx.msk [tilespmem:v14+s2+$0x0], $0xffff;
	v21 =	vor.u32 v1, v15;
	[tilespmem:s26+$0x10] =	vst v7  }
0x12c: {  	v13 =	vshll.u32 v13, $0x6;
	v17 =	vor.u32 v0, v16;
	v7 =	vand.u32 $0xFFFFFFFC, v19;
	v6 =	vld.idx.msk [tilespmem:v6+s14+$0x0], $0xffff  }
0x12d: {  	v24 =	vld.idx.msk [tilespmem:v24+s2+$0x0], $0xffff;
	v8 =	vmul.f32 $8.000000000e+00, v8;
	v19 =	vor.u32 v1, v5;
	v7 =	vbroadcast v7, $0x0  }
0x12e: {  	v13 =	vand.u32 $0x40, v13;
	v12 =	vshll.u32 v12, $0x6;
	s25 =	simm.s32 $0x12800;
	s5 =	simm.s32 $0x380;
	v18 =	vld.idx.msk [tilespmem:v18+s14+$0x0], $0xffff  }
0x12f: {  	v4 =	vor.u32 v3, v4;
	v26 =	vor.u32 s5, v13;
	v20 =	vld.idx.msk [tilespmem:v20+s14+$0x0], $0xffff;
	[tilespmem:s25+$0x0] =	vst v8;
	v11 =	vmul.f32 $8.000000000e+00, v11  }
0x130: {  	s1 =	sadd.s32 $0x83, s1;
	v12 =	vand.u32 $0x40, v12;
	v30 =	vor.u32 v2, v15;
	s11 =	simm.s32 $0x280;
	v28 =	vor.u32 v0, v26;
	v21 =	vld.idx.msk [tilespmem:v21+s14+$0x0], $0xffff  }
0x131: {  	v12 =	vor.u32 s11, v12;
	v17 =	vld.idx.msk [tilespmem:v17+s14+$0x0], $0xffff;
	v8 =	vmov s1;
	[tilespmem:s26+$0xFFFFFF00] =	vst v11;
	v6 =	vmul.f32 $8.000000000e+00, v6  }
0x132: {  	v23 =	vor.u32 v1, v9;
	v31 =	vor.u32 v1, v10;
	v11 =	vor.u32 v0, v12;
	v19 =	vld.idx.msk [tilespmem:v19+s14+$0x0], $0xffff  }
0x133: {  	v13 =	vshll.u32 v14, $0x6;
	v14 =	vor.u32 v3, v9;
	v22 =	vor.u32 v1, v16;
	v27 =	vld.idx.msk [tilespmem:v7+s2+$0x0], $0xffff;
	[tilespmem:s26+$0x20] =	vst v6  }
0x134: {  	v7 =	vor.u32 v2, v16;
	v6 =	vor.u32 v2, v9;
	v9 =	vmul.f32 $8.000000000e+00, v20;
	v29 =	vld.idx.msk [tilespmem:v4+s14+$0x0], $0xffff  }
0x135: {  	s7 =	simm.s32 $0x500;
	v4 =	vand.u32 $0x40, v13;
	v13 =	vor.u32 v3, v16;
	v16 =	vmul.f32 $8.000000000e+00, v21;
	v21 =	vld.idx.msk [tilespmem:v28+s14+$0x0], $0xffff  }
0x136: {  	s0 =	sadd.s32 $0xC, s22;
	v47 =	vor.u32 s7, v4;
	v4 =	vld.idx.msk [tilespmem:v8+s2+$0x0], $0xffff  }
0x137: {  	s9 =	sadd.s32 $0x82, s0;
	v25 =	vor.u32 v2, v5;
	v18 =	vmul.f32 $8.000000000e+00, v18;
	v17 =	vmul.f32 $8.000000000e+00, v17;
	v11 =	vld.idx.msk [tilespmem:v11+s14+$0x0], $0xffff;
	[tilespmem:s25+$0xFFFFFF00] =	vst v9  }
0x138: {  	s7 =	sadd.s32 $0x81, s0;
	v8 =	vor.u32 v0, v47;
	[tilespmem:s25+$0x10] =	vst v16;
	v16 =	vmov s9;
	v28 =	vld.idx.msk [tilespmem:v31+s14+$0x0], $0xffff;
	v31 =	vor.u32 v1, v12  }
0x139: {  	[tilespmem:s26+$0x80] =	vst v18;
	v19 =	vmul.f32 $8.000000000e+00, v19;
	v18 =	vmov s7;
	v16 =	vand.u32 $0xFFFFFFFE, v16  }
0x13a: {  	[tilespmem:s26+$0xFFFFFF80] =	vst v17;
	v20 =	vshll.u32 v27, $0x6;
	v9 =	vld.idx.msk [tilespmem:v30+s14+$0x0], $0xffff;
	v18 =	vand.u32 $0xFFFFFFFD, v18;
	v16 =	vbroadcast v16, $0x0  }
0x13b: {  	s5 =	sadd.s32 $0x80, s0;
	s11 =	simm.s32 $0x400;
	v20 =	vand.u32 $0x40, v20;
	[tilespmem:s26+$0xFFFFFF10] =	vst v19;
	v19 =	vshll.u32 v24, $0x6;
	v24 =	vld.idx.msk [tilespmem:v23+s14+$0x0], $0xffff;
	v23 =	vbroadcast v18, $0x0  }
0x13c: {  	v22 =	vld.idx.msk [tilespmem:v22+s14+$0x0], $0xffff;
	v30 =	vmov s5;
	v27 =	vor.u32 s11, v20;
	v11 =	vmul.f32 $8.000000000e+00, v11  }
0x13d: {  	v15 =	vor.u32 v3, v15;
	v17 =	vand.u32 $0xFFFFFFFC, v30;
	v25 =	vld.idx.msk [tilespmem:v25+s14+$0x0], $0xffff;
	v20 =	vor.u32 v0, v27  }
0x13e: {  	v37 =	vor.u32 v2, v10;
	v48 =	vor.u32 v1, v26;
	s0 =	sadd.s32 $0x83, s0;
	v17 =	vbroadcast v17, $0x0;
	v8 =	vld.idx.msk [tilespmem:v8+s14+$0x0], $0xffff;
	[tilespmem:s25+$0xFFFFFF80] =	vst v11  }
0x13f: {  	v5 =	vor.u32 v3, v5;
	v50 =	vmov s0;
	v9 =	vmul.f32 $8.000000000e+00, v9;
	v31 =	vld.idx.msk [tilespmem:v31+s14+$0x0], $0xffff  }
0x140: {  	v52 =	vor.u32 v2, v47;
	v30 =	vor.u32 v1, v47;
	v18 =	vand.u32 $0x40, v19;
	v16 =	vld.idx.msk [tilespmem:v16+s2+$0x0], $0xffff  }
0x141: {  	s9 =	simm.s32 $0x480;
	v19 =	vor.u32 v2, v26;
	v4 =	vshll.u32 v4, $0x6;
	[tilespmem:s25+$0x20] =	vst v9;
	v9 =	vor.u32 v3, v26;
	v26 =	vld.idx.msk [tilespmem:v23+s2+$0x0], $0xffff  }
0x142: {  	s11 =	simm.s32 $0x580;
	v51 =	vor.u32 s9, v18;
	v4 =	vand.u32 $0x40, v4;
	v25 =	vmul.f32 $8.000000000e+00, v25;
	v49 =	vld.idx.msk [tilespmem:v20+s14+$0x0], $0xffff  }
0x143: {  	s0 =	sadd.s32 $0x10, s22;
	v38 =	vor.u32 v0, v51;
	v39 =	vor.u32 s11, v4;
	v40 =	vld.idx.msk [tilespmem:v15+s14+$0x0], $0xffff;
	v8 =	vmul.f32 $8.000000000e+00, v8  }
0x144: {  	s28 =	simm.s32 $0x12A00;
	v21 =	vmul.f32 $8.000000000e+00, v21;
	v18 =	vor.u32 v3, v10;
	s9 =	sadd.s32 $0x80, s0;
	v15 =	vor.u32 v0, v39;
	v17 =	vld.idx.msk [tilespmem:v17+s2+$0x0], $0xffff;
	[tilespmem:s26+$0xFFFFFF20] =	vst v25  }
0x145: {  	s7 =	sadd.s32 $0x82, s0;
	v35 =	vor.u32 v1, v51;
	v56 =	vmov s9;
	v4 =	vor.u32 v3, v12;
	s11 =	sadd.s32 $0x81, s0;
	s0 =	sadd.s32 $0x83, s0;
	v59 =	vld.idx.msk [tilespmem:v5+s14+$0x0], $0xffff;
	[tilespmem:s28+$0x0] =	vst v8  }
0x146: {  	v53 =	vor.u32 v1, v39;
	v24 =	vmul.f32 $8.000000000e+00, v24;
	v5 =	vmov s0;
	v10 =	vld.idx.msk [tilespmem:v30+s14+$0x0], $0xffff  }
0x147: {  	v20 =	vor.u32 v2, v12;
	v12 =	vmul.f32 $8.000000000e+00, v29;
	v29 =	vld.idx.msk [tilespmem:v50+s2+$0x0], $0xffff;
	v8 =	vor.u32 v1, v27  }
0x148: {  	[tilespmem:s26+$0x90] =	vst v24;
	v24 =	vmov s11;
	v16 =	vshll.u32 v16, $0x6;
	v30 =	vld.idx.msk [tilespmem:v38+s14+$0x0], $0xffff;
	v26 =	vshll.u32 v26, $0x6  }
0x149: {  	[tilespmem:s25+$0x80] =	vst v21;
	v23 =	vmul.f32 $8.000000000e+00, v49;
	v16 =	vand.u32 $0x40, v16;
	v41 =	vld.idx.msk [tilespmem:v15+s14+$0x0], $0xffff;
	v11 =	vshll.u32 v17, $0x6  }
0x14a: {  	s1 =	simm.s32 $0x700;
	v17 =	vmul.f32 $8.000000000e+00, v22;
	v22 =	vld.idx.msk [tilespmem:v48+s14+$0x0], $0xffff;
	v26 =	vand.u32 $0x40, v26;
	v11 =	vand.u32 $0x40, v11  }
0x14b: {  	s5 =	simm.s32 $0x600;
	[tilespmem:s28+$0xFFFFFF00] =	vst v23;
	v23 =	vor.u32 s1, v16;
	v16 =	vmul.f32 $8.000000000e+00, v28;
	v63 =	vld.idx.msk [tilespmem:v5+s2+$0x0], $0xffff;
	v10 =	vmul.f32 $8.000000000e+00, v10  }
0x14c: {  	v11 =	vor.u32 s5, v11;
	[tilespmem:s26+$0xFFFFFF90] =	vst v17;
	v17 =	vand.u32 $0xFFFFFFFC, v56;
	v42 =	vld.idx.msk [tilespmem:v8+s14+$0x0], $0xffff;
	v8 =	vor.u32 v0, v23  }
0x14d: {  	s5 =	simm.s32 $0x680;
	v21 =	vor.u32 v0, v11;
	v57 =	vld.idx.msk [tilespmem:v7+s14+$0x0], $0xffff;
	v43 =	vbroadcast v17, $0x0;
	[tilespmem:s28+$0x10] =	vst v10;
	v10 =	vmov s7  }
0x14e: {  	v17 =	vand.u32 $0xFFFFFFFD, v24;
	v24 =	vld.idx.msk [tilespmem:v6+s14+$0x0], $0xffff;
	v26 =	vor.u32 s5, v26;
	[tilespmem:s25+$0xFFFFFF10] =	vst v16;
	v10 =	vand.u32 $0xFFFFFFFE, v10  }
0x14f: {  	v60 =	vor.u32 v0, v26;
	v30 =	vmul.f32 $8.000000000e+00, v30;
	v55 =	vld.idx.msk [tilespmem:v37+s14+$0x0], $0xffff;
	v10 =	vbroadcast v10, $0x0  }
0x150: {  	v31 =	vmul.f32 $8.000000000e+00, v31;
	v29 =	vshll.u32 v29, $0x6;
	v28 =	vor.u32 v2, v27;
	v54 =	vld.idx.msk [tilespmem:v52+s14+$0x0], $0xffff  }
0x151: {  	v6 =	vbroadcast v17, $0x0;
	v17 =	vor.u32 v3, v27;
	v27 =	vand.u32 $0x40, v29;
	s7 =	simm.s32 $0x780;
	[tilespmem:s28+$0xFFFFFF80] =	vst v30;
	v8 =	vld.idx.msk [tilespmem:v8+s14+$0x0], $0xffff  }
0x152: {  	v15 =	vor.u32 v2, v51;
	v61 =	vmul.f32 $8.000000000e+00, v40;
	v27 =	vor.u32 s7, v27;
	v35 =	vld.idx.msk [tilespmem:v35+s14+$0x0], $0xffff  }
0x153: {  	v7 =	vor.u32 v3, v47;
	v46 =	vor.u32 v1, v11;
	v58 =	vld.idx.msk [tilespmem:v21+s14+$0x0], $0xffff;
	v62 =	vor.u32 v0, v27  }
0x154: {  	v50 =	vor.u32 v2, v23;
	s5 =	sadd.s32 $0x14, s22;
	v16 =	vor.u32 v2, v39;
	v21 =	vor.u32 v1, v23;
	v36 =	vld.idx.msk [tilespmem:v60+s14+$0x0], $0xffff  }
0x155: {  	[tilespmem:s26+$0x30] =	vst v12;
	v12 =	vor.u32 v2, v26;
	v41 =	vmul.f32 $8.000000000e+00, v41;
	s7 =	sadd.s32 $0x82, s5;
	v42 =	vmul.f32 $8.000000000e+00, v42;
	v44 =	vld.idx.msk [tilespmem:v10+s2+$0x0], $0xffff  }
0x156: {  	[tilespmem:s25+$0xFFFFFF90] =	vst v31;
	v49 =	vmul.f32 $8.000000000e+00, v22;
	v31 =	vmov s7;
	v43 =	vld.idx.msk [tilespmem:v43+s2+$0x0], $0xffff;
	v10 =	vmul.f32 $8.000000000e+00, v8  }
0x157: {  	s29 =	simm.s32 $0x12C00;
	v24 =	vmul.f32 $8.000000000e+00, v24;
	v31 =	vand.u32 $0xFFFFFFFE, v31;
	v48 =	vld.idx.msk [tilespmem:v6+s2+$0x0], $0xffff;
	v34 =	vmul.f32 $8.000000000e+00, v55;
	[tilespmem:s28+$0xFFFFFF10] =	vst v42  }
0x158: {  	v29 =	vor.u32 v1, v27;
	v31 =	vbroadcast v31, $0x0;
	v25 =	vmul.f32 $8.000000000e+00, v54;
	v40 =	vld.idx.msk [tilespmem:v62+s14+$0x0], $0xffff;
	[tilespmem:s29+$0x0] =	vst v10  }
0x159: {  	[tilespmem:s26+$0xA0] =	vst v24;
	v6 =	vmul.f32 $8.000000000e+00, v58;
	v62 =	vor.u32 v3, v23;
	v8 =	vor.u32 v3, v51;
	v47 =	vld.idx.msk [tilespmem:v21+s14+$0x0], $0xffff  }
0x15a: {  	v28 =	vld.idx.msk [tilespmem:v28+s14+$0x0], $0xffff;
	[tilespmem:s28+$0x20] =	vst v25;
	v25 =	vor.u32 v1, v26;
	v24 =	vmul.f32 $8.000000000e+00, v36;
	v5 =	vshll.u32 v44, $0x6  }
0x15b: {  	s11 =	simm.s32 $0x900;
	v45 =	vld.idx.msk [tilespmem:v7+s14+$0x0], $0xffff;
	v7 =	vor.u32 v3, v39;
	[tilespmem:s29+$0xFFFFFF00] =	vst v6;
	v6 =	vshll.u32 v43, $0x6;
	v5 =	vand.u32 $0x40, v5  }
0x15c: {  	[tilespmem:s28+$0x80] =	vst v41;
	v56 =	vshll.u32 v48, $0x6;
	v10 =	vor.u32 v2, v27;
	v30 =	vld.idx.msk [tilespmem:v46+s14+$0x0], $0xffff;
	v22 =	vor.u32 s11, v5  }
0x15d: {  	s9 =	sadd.s32 $0x80, s5;
	[tilespmem:s25+$0x90] =	vst v49;
	v38 =	vld.idx.msk [tilespmem:v53+s14+$0x0], $0xffff;
	v5 =	vand.u32 $0x40, v6;
	v6 =	vor.u32 v3, v26;
	v51 =	vor.u32 v0, v22  }
0x15e: {  	s1 =	simm.s32 $0x800;
	v43 =	vld.idx.msk [tilespmem:v19+s14+$0x0], $0xffff;
	v26 =	vmul.f32 $8.000000000e+00, v57;
	v57 =	vmov s9;
	v52 =	vmul.f32 $8.000000000e+00, v47  }
0x15f: {  	[tilespmem:s25+$0x30] =	vst v61;
	v31 =	vld.idx.msk [tilespmem:v31+s2+$0x0], $0xffff;
	v28 =	vmul.f32 $8.000000000e+00, v28;
	v42 =	vor.u32 s1, v5;
	v58 =	vand.u32 $0xFFFFFFFC, v57  }
0x160: {  	v21 =	vor.u32 v2, v11;
	v44 =	vld.idx.msk [tilespmem:v20+s14+$0x0], $0xffff;
	v53 =	vor.u32 v0, v42;
	v19 =	vbroadcast v58, $0x0;
	[tilespmem:s29+$0x10] =	vst v52  }
0x161: {  	[tilespmem:s25+$0xFFFFFF20] =	vst v34;
	v11 =	vor.u32 v3, v11;
	v20 =	vand.u32 $0x40, v56;
	s11 =	sadd.s32 $0x81, s5;
	v30 =	vmul.f32 $8.000000000e+00, v30;
	v54 =	vld.idx.msk [tilespmem:v50+s14+$0x0], $0xffff  }
0x162: {  	[tilespmem:s29+$0xFFFFFF80] =	vst v24;
	v5 =	vor.u32 v3, v27;
	v27 =	vmul.f32 $8.000000000e+00, v59;
	v59 =	vmov s11;
	v41 =	vld.idx.msk [tilespmem:v51+s14+$0x0], $0xffff  }
0x163: {  	v55 =	vmul.f32 $8.000000000e+00, v45;
	[tilespmem:s26+$0xFFFFFFA0] =	vst v26;
	v26 =	vshll.u32 v63, $0x6;
	v60 =	vand.u32 $0xFFFFFFFD, v59;
	v63 =	vld.idx.msk [tilespmem:v18+s14+$0x0], $0xffff  }
0x164: {  	s1 =	sadd.s32 $0x83, s5;
	s5 =	simm.s32 $0x880;
	v18 =	vor.u32 v1, v22;
	v57 =	vor.u32 v1, v42;
	[tilespmem:s29+$0xFFFFFF10] =	vst v30;
	v30 =	vmul.f32 $8.000000000e+00, v38;
	v52 =	vld.idx.msk [tilespmem:v13+s14+$0x0], $0xffff  }
0x165: {  	[tilespmem:s28+$0x30] =	vst v55;
	v32 =	vbroadcast v60, $0x0;
	v13 =	vor.u32 s5, v20;
	v20 =	vmul.f32 $8.000000000e+00, v40;
	v61 =	vld.idx.msk [tilespmem:v53+s14+$0x0], $0xffff  }
0x166: {  	v38 =	vor.u32 v2, v22;
	v23 =	vand.u32 $0x40, v26;
	[tilespmem:s26+$0xFFFFFF30] =	vst v27;
	v58 =	vld.idx.msk [tilespmem:v19+s2+$0x0], $0xffff;
	v26 =	vmul.f32 $8.000000000e+00, v54  }
0x167: {  	s7 =	simm.s32 $0x980;
	v27 =	vmov s1;
	v55 =	vor.u32 v0, v13;
	[tilespmem:s29+$0x80] =	vst v20;
	v54 =	vld.idx.msk [tilespmem:v14+s14+$0x0], $0xffff;
	v14 =	vmul.f32 $8.000000000e+00, v41  }
0x168: {  	s30 =	simm.s32 $0x12E00;
	v20 =	vor.u32 v2, v13;
	v29 =	vld.idx.msk [tilespmem:v29+s14+$0x0], $0xffff;
	v53 =	vor.u32 s7, v23;
	v23 =	vor.u32 v1, v13;
	[tilespmem:s29+$0x20] =	vst v26  }
0x169: {  	v43 =	vmul.f32 $8.000000000e+00, v43;
	v13 =	vor.u32 v3, v13;
	v56 =	vor.u32 v0, v53;
	v37 =	vld.idx.msk [tilespmem:v62+s14+$0x0], $0xffff;
	[tilespmem:s30+$0x0] =	vst v14  }
0x16a: {  	[tilespmem:s28+$0xFFFFFF20] =	vst v28;
	v36 =	vmul.f32 $8.000000000e+00, v63;
	v24 =	vor.u32 v1, v53;
	v19 =	vor.u32 v2, v53;
	v59 =	vld.idx.msk [tilespmem:v18+s14+$0x0], $0xffff  }
0x16b: {  	[tilespmem:s25+$0xA0] =	vst v43;
	v60 =	vld.idx.msk [tilespmem:v32+s2+$0x0], $0xffff;
	v26 =	vor.u32 v2, v42;
	v34 =	vmul.f32 $8.000000000e+00, v61;
	v61 =	vmul.f32 $8.000000000e+00, v44  }
0x16c: {  	[tilespmem:s28+$0x90] =	vst v30;
	v14 =	vmul.f32 $8.000000000e+00, v35;
	v35 =	vld.idx.msk [tilespmem:v27+s2+$0x0], $0xffff;
	v27 =	vshll.u32 v31, $0x6;
	v28 =	vshll.u32 v58, $0x6  }
0x16d: {  	s11 =	simm.s32 $0xB00;
	v31 =	vld.idx.msk [tilespmem:v55+s14+$0x0], $0xffff;
	v18 =	vor.u32 v3, v42;
	[tilespmem:s30+$0xFFFFFF00] =	vst v34;
	v34 =	vmul.f32 $8.000000000e+00, v52;
	v27 =	vand.u32 $0x40, v27  }
0x16e: {  	v32 =	vld.idx.msk [tilespmem:v56+s14+$0x0], $0xffff;
	v33 =	vmul.f32 $8.000000000e+00, v54;
	[tilespmem:s25+$0xFFFFFFA0] =	vst v61;
	v27 =	vor.u32 s11, v27;
	v62 =	vmul.f32 $8.000000000e+00, v37  }
0x16f: {  	s31 =	simm.s32 $0x18;
	s0 =	simm.s32 $0x1C;
	s5 =	simm.s32 $0xA00;
	v63 =	vand.u32 $0x40, v28;
	v28 =	vld.idx.msk [tilespmem:v25+s14+$0x0], $0xffff;
	[tilespmem:s28+$0xFFFFFF90] =	vst v14;
	v37 =	vor.u32 v0, v27;
	v39 =	vmul.f32 $8.000000000e+00, v59  }
0x170: {  	s9 =	simm.s32 $0xA80;
	s1 =	simm.s32 $0xB80;
	v40 =	vshll.u32 v60, $0x6;
	v14 =	vor.u32 v3, v53;
	v30 =	vld.idx.msk [tilespmem:v57+s14+$0x0], $0xffff;
	s11 =	sadd.s32 $0x18, s22;
	v25 =	vor.u32 s5, v63;
	[tilespmem:s29+$0x30] =	vst v62  }
.LBB2_5:
0x171: {  	p0 =	slt.u32 s0, $0x7C;
	s5 =	sadd.s32 $0x80, s11;
	s7 =	sadd.s32 $0x82, s11;
	v41 =	vor.u32 v0, v25;
	v40 =	vand.u32 $0x40, v40;
	v35 =	vshll.u32 v35, $0x6;
	[tilespmem:s30+$0x10] =	vst v39;
	v39 =	vld.idx.msk [tilespmem:v21+s14+$0x0], $0xffff;
	v21 =	vmovc v26  }
0x172: {  	v26 =	vmov s5;
	s5 =	sadd.s32 $0x81, s11;
	v42 =	vmov s7;
	s7 =	sadd.s32 $0x83, s11;
	v35 =	vand.u32 $0x40, v35;
	v38 =	vld.idx.msk [tilespmem:v38+s14+$0x0], $0xffff;
	[tilespmem:s25+$0xFFFFFF30] =	vst v36  }
0x173: {  	v26 =	vand.u32 $0xFFFFFFFC, v26;
	v36 =	vmov s5;
	v42 =	vand.u32 $0xFFFFFFFE, v42;
	v43 =	vld.idx.msk [tilespmem:v15+s14+$0x0], $0xffff;
	[tilespmem:s26+$0xFFFFFFB0] =	vst v34;
	v15 =	vmovc v12;
	v12 =	vmovc v20  }
0x174: {  	v34 =	vbroadcast v26, $0x0;
	v20 =	vand.u32 $0xFFFFFFFD, v36;
	v26 =	vbroadcast v42, $0x0;
	v36 =	vld.idx.msk [tilespmem:v37+s14+$0x0], $0xffff;
	[tilespmem:s26+$0xB0] =	vst v33;
	s26 =	smov.u32 s25;
	s25 =	smov.u32 s28;
	s28 =	smov.u32 s29  }
0x175: {  	v40 =	vor.u32 s9, v40;
	v37 =	vmov s7;
	s29 =	smov.u32 s30;
	v33 =	vbroadcast v20, $0x0;
	v42 =	vld.idx.msk [tilespmem:v16+s14+$0x0], $0xffff;
	v16 =	vmovc v10;
	v10 =	vmovc v19  }
0x176: {  	v45 =	vor.u32 v3, v22;
	v22 =	vmovc v27;
	v44 =	vor.u32 v0, v40;
	v35 =	vor.u32 s1, v35;
	v41 =	vld.idx.msk [tilespmem:v41+s14+$0x0], $0xffff  }
0x177: {  	v27 =	vor.u32 v0, v35;
	v19 =	vmul.f32 $8.000000000e+00, v31;
	v31 =	vmul.f32 $8.000000000e+00, v32;
	v32 =	vld.idx.msk [tilespmem:v17+s14+$0x0], $0xffff;
	v17 =	vmovc v11;
	v11 =	vmovc v18  }
0x178: {  	v46 =	vor.u32 v1, v25;
	v47 =	vor.u32 v1, v22;
	v18 =	vmul.f32 $8.000000000e+00, v38;
	v38 =	vld.idx.msk [tilespmem:v4+s14+$0x0], $0xffff;
	v4 =	vmovc v8  }
0x179: {  	v48 =	vor.u32 v1, v40;
	v30 =	vmul.f32 $8.000000000e+00, v30;
	v49 =	vor.u32 v1, v35;
	[tilespmem:s30+$0xFFFFFF80] =	vst v19;
	v50 =	vld.idx.msk [tilespmem:v9+s14+$0x0], $0xffff  }
0x17a: {  	v28 =	vmul.f32 $8.000000000e+00, v28;
	v8 =	vmovc v6;
	v36 =	vmul.f32 $8.000000000e+00, v36;
	v51 =	vld.idx.msk [tilespmem:v26+s2+$0x0], $0xffff;
	v26 =	vor.u32 v2, v25;
	[tilespmem:s30+$0x20] =	vst v18  }
0x17b: {  	v20 =	vor.u32 v2, v40;
	v29 =	vmul.f32 $8.000000000e+00, v29;
	v19 =	vor.u32 v2, v35;
	s30 =	sadd.s32 $0x200, s30;
	v45 =	vld.idx.msk [tilespmem:v45+s14+$0x0], $0xffff;
	[tilespmem:s29+$0x80] =	vst v31  }
0x17c: {  	v6 =	vmovc v13;
	v18 =	vor.u32 v3, v25;
	v25 =	vmul.f32 $8.000000000e+00, v39;
	v31 =	vmul.f32 $8.000000000e+00, v41;
	v52 =	vld.idx.msk [tilespmem:v34+s2+$0x0], $0xffff;
	[tilespmem:s30+$0x0] =	vst v36  }
0x17d: {  	v13 =	vor.u32 v3, v40;
	v40 =	vmul.f32 $8.000000000e+00, v43;
	v9 =	vmovc v7;
	v41 =	vmul.f32 $8.000000000e+00, v42;
	v39 =	vld.idx.msk [tilespmem:v47+s14+$0x0], $0xffff;
	[tilespmem:s29+$0xFFFFFF10] =	vst v30  }
0x17e: {  	v7 =	vmovc v5;
	v36 =	vmul.f32 $8.000000000e+00, v32;
	v30 =	vor.u32 v3, v35;
	v34 =	vmul.f32 $8.000000000e+00, v38;
	v42 =	vld.idx.msk [tilespmem:v33+s2+$0x0], $0xffff;
	[tilespmem:s30+$0xFFFFFF00] =	vst v31  }
0x17f: {  	v5 =	vmov v14;
	v33 =	vmul.f32 $8.000000000e+00, v50;
	v14 =	vmov v30;
	v35 =	vld.idx.msk [tilespmem:v37+s2+$0x0], $0xffff;
	[tilespmem:s28+$0xFFFFFF90] =	vst v28  }
.Ltmp1:
0x180: {  	s5 =	sshll.u32 s31, $0x7;
	s31 =	smov.u32 s0;
	v28 =	vshll.u32 v51, $0x6;
	v31 =	vld.idx.msk [tilespmem:v44+s14+$0x0], $0xffff;
	[tilespmem:s28+$0x90] =	vst v29;
	(pc) =	sbr.rel @p0 .LBB2_5-.Ltmp1, $4  }
0x181: {  	s9 =	sadd.s32 $0x80, s5;
	s7 =	sadd.s32 $0x100, s5;
	s1 =	sadd.s32 $0x180, s5;
	v38 =	vor.u32 v2, v22;
	v28 =	vand.u32 $0x40, v28;
	v29 =	vmul.f32 $8.000000000e+00, v45;
	v32 =	vld.idx.msk [tilespmem:v27+s14+$0x0], $0xffff;
	[tilespmem:s28+$0xFFFFFF20] =	vst v25  }
0x182: {  	v25 =	vshll.u32 v52, $0x6;
	v27 =	vor.u32 s7, v28;
	v30 =	vld.idx.msk [tilespmem:v46+s14+$0x0], $0xffff;
	[tilespmem:s25+$0xFFFFFFA0] =	vst v40  }
0x183: {  	v25 =	vand.u32 $0x40, v25;
	v37 =	vor.u32 v0, v27;
	v39 =	vmul.f32 $8.000000000e+00, v39;
	v28 =	vld.idx.msk [tilespmem:v23+s14+$0x0], $0xffff;
	[tilespmem:s29+$0x30] =	vst v29;
	v23 =	vmovc v48  }
0x184: {  	s0 =	sadd.s32 $0x4, s0;
	s11 =	sadd.s32 s31, s22;
	v25 =	vor.u32 s5, v25;
	v40 =	vshll.u32 v42, $0x6;
	v29 =	vld.idx.msk [tilespmem:v24+s14+$0x0], $0xffff;
	[tilespmem:s25+$0xA0] =	vst v41;
	v24 =	vmov v49  }
0x185: {  	_ =	sdelay $0x3  }
0x186: {  	v37 =	vld.idx.msk [tilespmem:v37+s14+$0x0], $0xffff  }
0x187: {  	s0 =	sadd.s32 $0x82, s11;
	v21 =	vld.idx.msk [tilespmem:v21+s14+$0x0], $0xffff  }
0x188: {  	v43 =	vld.idx.msk [tilespmem:v15+s14+$0x0], $0xffff;
	v41 =	vmov s0  }
0x189: {  	[tilespmem:s30+$0x10] =	vst v39;
	v17 =	vld.idx.msk [tilespmem:v17+s14+$0x0], $0xffff;
	v41 =	vand.u32 $0xFFFFFFFE, v41  }
0x18a: {  	v42 =	vor.u32 v0, v25;
	[tilespmem:s25+$0xFFFFFF30] =	vst v36;
	v31 =	vmul.f32 $8.000000000e+00, v31;
	v52 =	vld.idx.msk [tilespmem:v4+s14+$0x0], $0xffff;
	v41 =	vbroadcast v41, $0x0  }
0x18b: {  	[tilespmem:s26+$0xFFFFFFB0] =	vst v34;
	v9 =	vld.idx.msk [tilespmem:v9+s14+$0x0], $0xffff;
	v32 =	vmul.f32 $8.000000000e+00, v32  }
0x18c: {  	v38 =	vld.idx.msk [tilespmem:v38+s14+$0x0], $0xffff;
	[tilespmem:s30+$0xFFFFFF80] =	vst v31  }
0x18d: {  	v30 =	vmul.f32 $8.000000000e+00, v30;
	[tilespmem:s30+$0x80] =	vst v32;
	v23 =	vld.idx.msk [tilespmem:v23+s14+$0x0], $0xffff  }
0x18e: {  	s5 =	sadd.s32 $0x80, s11;
	[tilespmem:s26+$0xB0] =	vst v33;
	v28 =	vmul.f32 $8.000000000e+00, v28;
	v24 =	vld.idx.msk [tilespmem:v24+s14+$0x0], $0xffff  }
0x18f: {  	v59 =	vor.u32 v1, v27;
	v56 =	vmov s5;
	s5 =	sadd.s32 $0x83, s11;
	[tilespmem:s30+$0xFFFFFF10] =	vst v30;
	v4 =	vmul.f32 $8.000000000e+00, v29;
	v58 =	vld.idx.msk [tilespmem:v42+s14+$0x0], $0xffff  }
0x190: {  	v39 =	vand.u32 $0xFFFFFFFC, v56;
	v48 =	vmov s5;
	v44 =	vmul.f32 $8.000000000e+00, v37;
	[tilespmem:s29+$0xFFFFFF90] =	vst v28;
	v41 =	vld.idx.msk [tilespmem:v41+s2+$0x0], $0xffff  }
0x191: {  	s7 =	sadd.s32 $0x81, s11;
	s26 =	sadd.s32 $0x200, s30;
	v39 =	vbroadcast v39, $0x0;
	v42 =	vld.idx.msk [tilespmem:v16+s14+$0x0], $0xffff;
	v21 =	vmul.f32 $8.000000000e+00, v21;
	[tilespmem:s29+$0x90] =	vst v4  }
0x192: {  	v60 =	vmov s7;
	v56 =	vmul.f32 $8.000000000e+00, v43;
	v26 =	vld.idx.msk [tilespmem:v26+s14+$0x0], $0xffff;
	[tilespmem:s26+$0x0] =	vst v44  }
0x193: {  	v63 =	vand.u32 $0xFFFFFFFD, v60;
	v17 =	vmul.f32 $8.000000000e+00, v17;
	v12 =	vld.idx.msk [tilespmem:v12+s14+$0x0], $0xffff;
	[tilespmem:s29+$0xFFFFFF20] =	vst v21  }
0x194: {  	v45 =	vbroadcast v63, $0x0;
	v61 =	vmul.f32 $8.000000000e+00, v38;
	[tilespmem:s28+$0xFFFFFFA0] =	vst v56;
	v50 =	vld.idx.msk [tilespmem:v59+s14+$0x0], $0xffff  }
0x195: {  	s31 =	sshll.u32 s31, $0x7;
	v9 =	vmul.f32 $8.000000000e+00, v9;
	v37 =	vld.idx.msk [tilespmem:v48+s2+$0x0], $0xffff;
	[tilespmem:s28+$0xFFFFFF30] =	vst v17;
	v47 =	vshll.u32 v41, $0x6  }
0x196: {  	v62 =	vshll.u32 v35, $0x6;
	s7 =	sadd.s32 $0x100, s31;
	v10 =	vld.idx.msk [tilespmem:v10+s14+$0x0], $0xffff;
	[tilespmem:s30+$0x20] =	vst v61;
	v61 =	vmul.f32 $8.000000000e+00, v52;
	v15 =	vand.u32 $0x40, v47  }
0x197: {  	v53 =	vor.u32 v2, v27;
	[tilespmem:s25+$0xB0] =	vst v9;
	v46 =	vld.idx.msk [tilespmem:v39+s2+$0x0], $0xffff;
	v24 =	vmul.f32 $8.000000000e+00, v24;
	v39 =	vor.u32 s7, v15  }
0x198: {  	v33 =	vand.u32 $0x40, v62;
	v11 =	vld.idx.msk [tilespmem:v11+s14+$0x0], $0xffff;
	v49 =	vmul.f32 $8.000000000e+00, v58;
	[tilespmem:s25+$0xFFFFFFB0] =	vst v61;
	v51 =	vor.u32 v0, v39  }
0x199: {  	v22 =	vor.u32 v3, v22;
	v16 =	vor.u32 s1, v33;
	v8 =	vld.idx.msk [tilespmem:v8+s14+$0x0], $0xffff;
	[tilespmem:s30+$0x90] =	vst v24;
	v58 =	vmul.f32 $8.000000000e+00, v50  }
0x19a: {  	v55 =	vor.u32 v0, v16;
	v31 =	vld.idx.msk [tilespmem:v45+s2+$0x0], $0xffff;
	v60 =	vmul.f32 $8.000000000e+00, v42;
	[tilespmem:s26+$0xFFFFFF00] =	vst v49  }
0x19b: {  	v26 =	vmul.f32 $8.000000000e+00, v26;
	[tilespmem:s26+$0x10] =	vst v58  }
0x19c: {  	v57 =	vand.u32 $0x40, v40;
	v12 =	vmul.f32 $8.000000000e+00, v12;
	[tilespmem:s28+$0xA0] =	vst v60;
	v49 =	vmul.f32 $8.000000000e+00, v23;
	v21 =	vld.idx.msk [tilespmem:v53+s14+$0x0], $0xffff  }
0x19d: {  	[tilespmem:s30+$0xFFFFFF20] =	vst v26;
	v10 =	vmul.f32 $8.000000000e+00, v10;
	v15 =	vor.u32 s9, v57;
	v57 =	vor.u32 v1, v25;
	v30 =	vld.idx.msk [tilespmem:v51+s14+$0x0], $0xffff  }
0x19e: {  	v22 =	vld.idx.msk [tilespmem:v22+s14+$0x0], $0xffff;
	[tilespmem:s29+$0xFFFFFFA0] =	vst v12;
	v11 =	vmul.f32 $8.000000000e+00, v11;
	v8 =	vmul.f32 $8.000000000e+00, v8;
	v54 =	vshll.u32 v46, $0x6  }
0x19f: {  	v62 =	vld.idx.msk [tilespmem:v55+s14+$0x0], $0xffff;
	v45 =	vshll.u32 v31, $0x6;
	v46 =	vshll.u32 v37, $0x6;
	[tilespmem:s30+$0xFFFFFF90] =	vst v49;
	v36 =	vor.u32 v0, v15  }
0x1a0: {  	v7 =	vld.idx.msk [tilespmem:v7+s14+$0x0], $0xffff;
	[tilespmem:s29+$0xA0] =	vst v10;
	v4 =	vand.u32 $0x40, v54;
	v47 =	vand.u32 $0x40, v45;
	v63 =	vor.u32 v1, v39  }
0x1a1: {  	s0 =	sadd.s32 $0x180, s31;
	v18 =	vld.idx.msk [tilespmem:v18+s14+$0x0], $0xffff;
	v48 =	vand.u32 $0x40, v46;
	[tilespmem:s29+$0xFFFFFF30] =	vst v11;
	v4 =	vor.u32 s31, v4;
	v21 =	vmul.f32 $8.000000000e+00, v21  }
0x1a2: {  	s11 =	sadd.s32 $0x80, s31;
	[tilespmem:s28+$0xFFFFFFB0] =	vst v8;
	v28 =	vor.u32 s0, v48;
	v59 =	vor.u32 v0, v4;
	v29 =	vld.idx.msk [tilespmem:v57+s14+$0x0], $0xffff;
	v40 =	vmul.f32 $8.000000000e+00, v30  }
0x1a3: {  	v22 =	vmul.f32 $8.000000000e+00, v22;
	v6 =	vld.idx.msk [tilespmem:v6+s14+$0x0], $0xffff;
	s9 =	sadd.s32 $0x200, s26;
	v52 =	vor.u32 v0, v28;
	[tilespmem:s26+$0x20] =	vst v21;
	v21 =	vor.u32 s11, v47  }
0x1a4: {  	v43 =	vmul.f32 $8.000000000e+00, v62;
	v36 =	vld.idx.msk [tilespmem:v36+s14+$0x0], $0xffff;
	v51 =	vor.u32 v0, v21;
	[tilespmem:s9+$0x0] =	vst v40  }
0x1a5: {  	[tilespmem:s30+$0x30] =	vst v22;
	v7 =	vmul.f32 $8.000000000e+00, v7;
	v44 =	vld.idx.msk [tilespmem:v63+s14+$0x0], $0xffff  }
0x1a6: {  	v56 =	vor.u32 v1, v16;
	v20 =	vld.idx.msk [tilespmem:v20+s14+$0x0], $0xffff;
	[tilespmem:s26+$0x80] =	vst v43;
	v49 =	vmul.f32 $8.000000000e+00, v18  }
0x1a7: {  	v55 =	vor.u32 v1, v15;
	[tilespmem:s28+$0xB0] =	vst v7;
	v38 =	vld.idx.msk [tilespmem:v59+s14+$0x0], $0xffff;
	v29 =	vmul.f32 $8.000000000e+00, v29  }
0x1a8: {  	v50 =	vor.u32 v2, v39;
	v6 =	vmul.f32 $8.000000000e+00, v6;
	[tilespmem:s30+$0xFFFFFF30] =	vst v49;
	v58 =	vld.idx.msk [tilespmem:v52+s14+$0x0], $0xffff  }
0x1a9: {  	v41 =	vor.u32 v3, v27;
	v42 =	vmul.f32 $8.000000000e+00, v36;
	[tilespmem:s26+$0xFFFFFF10] =	vst v29;
	v29 =	vld.idx.msk [tilespmem:v51+s14+$0x0], $0xffff  }
0x1aa: {  	v5 =	vld.idx.msk [tilespmem:v5+s14+$0x0], $0xffff;
	v54 =	vor.u32 v1, v4;
	[tilespmem:s29+$0xFFFFFFB0] =	vst v6;
	v53 =	vmul.f32 $8.000000000e+00, v44  }
0x1ab: {  	v22 =	vld.idx.msk [tilespmem:v56+s14+$0x0], $0xffff;
	v20 =	vmul.f32 $8.000000000e+00, v20;
	v30 =	vor.u32 v1, v28;
	[tilespmem:s26+$0xFFFFFF80] =	vst v42  }
0x1ac: {  	v62 =	vor.u32 v1, v21;
	v17 =	vmul.f32 $8.000000000e+00, v38;
	v61 =	vld.idx.msk [tilespmem:v55+s14+$0x0], $0xffff;
	[tilespmem:s9+$0x10] =	vst v53  }
0x1ad: {  	[tilespmem:s30+$0xFFFFFFA0] =	vst v20;
	v12 =	vmul.f32 $8.000000000e+00, v58;
	v23 =	vld.idx.msk [tilespmem:v50+s14+$0x0], $0xffff  }
0x1ae: {  	v57 =	vor.u32 v2, v25;
	v9 =	vld.idx.msk [tilespmem:v41+s14+$0x0], $0xffff;
	[tilespmem:s9+$0xFFFFFF00] =	vst v17;
	v32 =	vmul.f32 $8.000000000e+00, v29  }
0x1af: {  	v5 =	vmul.f32 $8.000000000e+00, v5;
	[tilespmem:s9+$0x80] =	vst v12;
	v40 =	vor.u32 v2, v15;
	v59 =	vld.idx.msk [tilespmem:v54+s14+$0x0], $0xffff  }
0x1b0: {  	v60 =	vor.u32 v3, v39;
	v38 =	vmul.f32 $8.000000000e+00, v22;
	v42 =	vld.idx.msk [tilespmem:v30+s14+$0x0], $0xffff;
	[tilespmem:s9+$0xFFFFFF80] =	vst v32  }
0x1b1: {  	v43 =	vor.u32 v2, v16;
	[tilespmem:s29+$0xB0] =	vst v5;
	v36 =	vmul.f32 $8.000000000e+00, v61;
	v39 =	vld.idx.msk [tilespmem:v62+s14+$0x0], $0xffff  }
0x1b2: {  	v35 =	vld.idx.msk [tilespmem:v19+s14+$0x0], $0xffff;
	v37 =	vor.u32 v2, v4;
	[tilespmem:s26+$0x90] =	vst v38;
	v63 =	vmul.f32 $8.000000000e+00, v23  }
0x1b3: {  	v45 =	vor.u32 v2, v28;
	v9 =	vmul.f32 $8.000000000e+00, v9;
	v31 =	vld.idx.msk [tilespmem:v57+s14+$0x0], $0xffff;
	[tilespmem:s26+$0xFFFFFF90] =	vst v36  }
0x1b4: {  	v33 =	vmul.f32 $8.000000000e+00, v59;
	v44 =	vor.u32 v2, v21;
	v48 =	vld.idx.msk [tilespmem:v40+s14+$0x0], $0xffff;
	[tilespmem:s9+$0x20] =	vst v63  }
0x1b5: {  	[tilespmem:s26+$0x30] =	vst v9;
	v10 =	vmul.f32 $8.000000000e+00, v42;
	v34 =	vld.idx.msk [tilespmem:v60+s14+$0x0], $0xffff  }
0x1b6: {  	[tilespmem:s9+$0xFFFFFF10] =	vst v33;
	v50 =	vld.idx.msk [tilespmem:v43+s14+$0x0], $0xffff;
	v8 =	vmul.f32 $8.000000000e+00, v39  }
0x1b7: {  	v46 =	vor.u32 v3, v25;
	v9 =	vmul.f32 $8.000000000e+00, v35;
	v47 =	vld.idx.msk [tilespmem:v37+s14+$0x0], $0xffff;
	[tilespmem:s9+$0x90] =	vst v10  }
0x1b8: {  	v51 =	vor.u32 v3, v15;
	v41 =	vmul.f32 $8.000000000e+00, v31;
	v52 =	vld.idx.msk [tilespmem:v45+s14+$0x0], $0xffff;
	[tilespmem:s9+$0xFFFFFF90] =	vst v8  }
0x1b9: {  	[tilespmem:s30+$0xA0] =	vst v9;
	v53 =	vor.u32 v3, v16;
	v9 =	vmul.f32 $8.000000000e+00, v48;
	v8 =	vld.idx.msk [tilespmem:v44+s14+$0x0], $0xffff  }
0x1ba: {  	v4 =	vor.u32 v3, v4;
	v5 =	vld.idx.msk [tilespmem:v13+s14+$0x0], $0xffff;
	[tilespmem:s26+$0xFFFFFF20] =	vst v41;
	v7 =	vmul.f32 $8.000000000e+00, v34  }
0x1bb: {  	v56 =	vor.u32 v3, v28;
	v14 =	vld.idx.msk [tilespmem:v14+s14+$0x0], $0xffff;
	v12 =	vmul.f32 $8.000000000e+00, v50;
	[tilespmem:s26+$0xFFFFFFA0] =	vst v9  }
0x1bc: {  	v55 =	vor.u32 v3, v21;
	v54 =	vld.idx.msk [tilespmem:v46+s14+$0x0], $0xffff;
	[tilespmem:s9+$0x30] =	vst v7;
	v7 =	vmul.f32 $8.000000000e+00, v47  }
0x1bd: {  	[tilespmem:s26+$0xA0] =	vst v12;
	v59 =	vmul.f32 $8.000000000e+00, v52;
	v58 =	vld.idx.msk [tilespmem:v51+s14+$0x0], $0xffff  }
0x1be: {  	v60 =	vld.idx.msk [tilespmem:v53+s14+$0x0], $0xffff;
	v57 =	vmul.f32 $8.000000000e+00, v8;
	[tilespmem:s9+$0xFFFFFF20] =	vst v7  }
0x1bf: {  	v5 =	vmul.f32 $8.000000000e+00, v5;
	[tilespmem:s9+$0xA0] =	vst v59;
	v4 =	vld.idx.msk [tilespmem:v4+s14+$0x0], $0xffff  }
0x1c0: {  	v61 =	vmul.f32 $8.000000000e+00, v14;
	v62 =	vld.idx.msk [tilespmem:v56+s14+$0x0], $0xffff;
	[tilespmem:s9+$0xFFFFFFA0] =	vst v57  }
0x1c1: {  	[tilespmem:s30+$0xFFFFFFB0] =	vst v5;
	v6 =	vmul.f32 $8.000000000e+00, v54;
	v7 =	vld.idx.msk [tilespmem:v55+s14+$0x0], $0xffff  }
0x1c2: {  	[tilespmem:s30+$0xB0] =	vst v61;
	v5 =	vmul.f32 $8.000000000e+00, v58  }
0x1c3: {  	s23 =	sadd.s32 $0x1, s23;
	[tilespmem:s26+$0xFFFFFF30] =	vst v6;
	v63 =	vmul.f32 $8.000000000e+00, v60  }
0x1c4: {  	p0 =	sne.s32 s23, $0x64;
	[tilespmem:s26+$0xFFFFFFB0] =	vst v5;
	v4 =	vmul.f32 $8.000000000e+00, v4  }
.Ltmp2:
0x1c5: {  	s31 =	sshll.u32 s24, $0xE;
	[tilespmem:s26+$0xB0] =	vst v63;
	v5 =	vmul.f32 $8.000000000e+00, v62;
	(pc) =	sbr.rel @p0 .LBB2_2-.Ltmp2, $4  }
0x1c6: {  	s0 =	sadd.s32 s6, s31;
	[tilespmem:s9+$0xFFFFFF30] =	vst v4;
	v4 =	vmul.f32 $8.000000000e+00, v7  }
0x1c7: {  	s0 =	sshrl.u32 s0, $0x3;
	[tilespmem:s9+$0xB0] =	vst v5  }
0x1c8: {  	s22 =	sadd.s32 $0x100, s22;
	s0 =	sadd.s32 s4, s0;
	[tilespmem:s9+$0xFFFFFFB0] =	vst v4  }
0x1c9: {  	[hbm4b:s0+s2] =	stream.linear.scatter [tilespmem:s18], [sflag:$0x4], $0x4000, $0x38;
	[tilespmem:$0x16500] =	vst v63  }
0x1ca: {  	_ =	swait.ge [sflag:s19], $0x4000  }
0x1cb: {  	[sflag:s19] =	ssyncset.done $0x0  }
0x1cc: {  	[sflag:s19] =	ssyncadd.s32 $0xFFFFC000  }
0x1cd: {  	_ =	swait.ge [sflag:s20], $0x4000  }
0x1ce: {  	s21 =	sadd.s32 $0x1, s21;
	s0 =	rddreg [dreg:$0x4]  }
0x1cf: {  	p0 =	sne.s32 s21, s0  }
.Ltmp3:
0x1d0: {  	_ = 	snop;
	(pc) =	sbr.rel @p0 .LBB2_1-.Ltmp3, $3  }
0x1d1: {  	_ =	sdelay $0x1  }
0x1d2: {  	[sflag:s20] =	ssyncset.done $0x0  }
0x1d3: {  	[sflag:s20] =	ssyncadd.s32 $0xFFFFC000  }
0x1d4: {  	_ =	sfence.sel $0x180000  }
0x1d5: {  	[bflag:$0x0] =	sbarrier.arrive $0xFFFF  }
0x1d6: {  	_ =	strace $0x90000047  }
0x1d7: {  	s0 =	stileid.u32;
	[bflag:$0x2] =	sbarrier.arrive $0xFFFF  }
0x1d8: {  	p0 =	sne.s32 s0, $0x0;
	s0 =	rddreg [dreg:$0x2]  }
0x1d9: {  	s0 =	sadd.s32 @!p0 $0x100000, s0  }
0x1da: {  	[sflag:s0] =	ssyncadd.tile.s32 @!p0 $0x1;
	_ =	shalt  }
.Lfunc_end2:
_tile_overlayer_lowered:
.L_overlay_start_2:
0x1db: {  	(tag) =	ssettag $0x2  }
0x1dc: {  	s0 =	rddreg [dreg:$0x0];
	s2 =	stileid.u32  }
0x1dd: {  	s1 =	rddreg [dreg:$0x1];
	p0 =	sne.s32 s2, $0x0  }
0x1de: {  	s3 =	rddreg [dreg:$0x2];
	[bflag:$0x3] =	sbarrier.arrive $0xFFFF;
	s2 =	simm.s32 @!p0 $0x1C05  }
0x1df: {  	[timem:s3], [sflag:s2] =	dma.local @!p0 [hbm:s0], s1  }
0x1e0: {  	s0 =	simm.s32 @!p0 $0x5  }
0x1e1: {  	_ =	swait.ge @!p0 [sflag:s0], s1  }
0x1e2: {  	s1 =	ssub.s32 @!p0 $0x0, s1;
	[sflag:s0] =	ssyncset.done @!p0 $0x0  }
0x1e3: {  	[sflag:s0] =	ssyncadd.s32 @!p0 s1  }
0x1e4: {  	[bflag:$0x3] =	sbarrier.arrive $0xFFFF  }
0x1e5: {  	_ =	shalt  }

// kernel: sparse-core-data-format-call.cloned.1.call-start
scs
called_computation_lowered:
.L_overlay_start_0:
0x0: {  	s2 =	sld [smem:$0x3FD9]  }
0x1: {  	s3 =	sld [smem:$0x3FFE];
	_ =	sdelay $0x1  }
0x2: {  	s1 =	srdreg.scid  }
0x3: {  	s0 =	sand.u32 $0x1, s1  }
0x4: {  	s18 =	sshll.u32 s0, $0xA;
	s2 =	sadd.s32 s3, s2  }
0x5: {  	s2 =	sadd.s32 s2, s18  }
0x6: {  	[smem:$0x3FC6] =	sst s2  }
0x7: {  	_ = 	snop  }
0x8: {  	s2 =	sld [smem:$0x3FD0];
	(tm) =	ssettm $0x1  }
0x9: {  	s19 =	sld [smem:$0x3FFB];
	_ =	sdelay $0x3  }
0xa: {  	_ =	strace s19  }
0xb: {  	s3 =	sld [smem:$0x3FFC];
	_ =	sdelay $0x3  }
0xc: {  	_ =	strace s3  }
0xd: {  	s3 =	sld [smem:$0x3FFD];
	_ =	sdelay $0x3  }
0xe: {  	_ =	strace s3  }
0xf: {  	_ =	strace $0x8FFFFFFF  }
0x10: {  	s20 =	sld [smem:$0x3FDB];
	_ =	sdelay $0x1  }
0x11: {  	s4 =	simm.s32 $_scs_section_size  }
0x12: {  	s5 =	simm.s32 $_size__tile_overlayer_lowered;
	s6 =	simm.s32 $_tile_overlayer_lowered  }
0x13: {  	s23 =	simm.s32 $0x1BFF;
	s22 =	sshll.u32 s6, $0x1;
	s3 =	sadd.s32 s4, s20  }
0x14: {  	s7 =	simm.s32 $0x0;
	s21 =	sshll.u32 s5, $0x1;
	s5 =	sadd.s32 s22, s3  }
0x15: {  	[timem:s7], [sflag:s23] =	dma.local [hbm:s5], s21  }
0x16: {  	_ =	swait.ge [sflag:s23], s21  }
0x17: {  	s4 =	ssub.s32 $0x0, s21;
	[sflag:s23] =	ssyncset.done $0x0  }
0x18: {  	[sflag:s23] =	ssyncadd.s32 s4;
	_ =	sdelay $0x1  }
0x19: {  	s24 =	simm.s32 $0x1B8B  }
0x1a: {  	_ =	swait.ge [sflag:s24], $0x1  }
0x1b: {  	[sflag:s24] =	ssyncset.done $0x0  }
0x1c: {  	s26 =	simm.s32 $0x1B8E;
	s25 =	sld [smem:$0x3FFE];
	[sflag:s24] =	ssyncadd.s32 $0xFFFFFFFF  }
0x1d: {  	s27 =	simm.s32 $execute0_lowered;
	[smem:$0x3FD2] =	sst s26  }
0x1e: {  	s5 =	sshll.u32 s27, $0x1;
	_ =	strace $0x80000049;
	[dreg:$0x1] =	wrdreg $0xFFFFFFFF  }
0x1f: {  	s28 =	simm.s32 $_size_execute0_lowered;
	s3 =	sadd.s32 s3, s5;
	[dreg:$0x0] =	wrdreg $0x0  }
0x20: {  	s5 =	sshll.u32 s28, $0x1;
	[dreg:$0x2] =	wrdreg s3  }
0x21: {  	[dreg:$0x3] =	wrdreg s5  }
0x22: {  	[dreg:$0x4] =	wrdreg $0xC0  }
0x23: {  	_ =	task [dreg:s7], $0x5FFFF  }
0x24: {  	[dreg:$0x1] =	wrdreg $0xFFFFFFFF  }
0x25: {  	[dreg:$0x0] =	wrdreg $0x60  }
0x26: {  	[dreg:$0x2] =	wrdreg s25  }
0x27: {  	[dreg:$0x3] =	wrdreg s2  }
0x28: {  	[dreg:$0x4] =	wrdreg $0x9  }
0x29: {  	_ =	task.clear_ibuf [dreg:s7], $0x5FFFF;
	_ =	strace $0x90000049  }
0x2a: {  	s29 =	simm.s32 $0x9;
	_ =	strace $0x8000004B  }
0x2b: {  	_ =	swait.ge [sflag:s29], $0x1  }
0x2c: {  	[sflag:s29] =	ssyncadd.s32 $0xFFFFFFFF  }
0x2d: {  	_ =	strace $0x9000004B  }
0x2e: {  	_ =	sfence  }
0x2f: {  	s30 =	sld [smem:$0x0];
	_ =	sdelay $0x2  }
0x30: {  	s31 =	sshll.u32 s1, $0xD;
	s1 =	sshrl.u32 s1, $0x2  }
0x31: {  	s3 =	sand.u32 $0x4000, s31;
	s1 =	sadd.s32 s1, s30  }
0x32: {  	s0 =	sor.u32 s3, s0;
	s1 =	sshll.u32 s1, $0x11  }
0x33: {  	s0 =	sor.u32 s1, s0  }
0x34: {  	s0 =	sadd.s32 $0x8F2B, s0  }
0x35: {  	[sflag:s0] =	ssyncadd.remote.s32 $0x1  }
0x36: {  	_ =	sfence.sel $0xFFFF  }
0x37: {  	[dreg:$0x0] =	wrdreg $0xFFFFFFFF;
	(pc) =	sbr.abs _section_cstart, $3  }
0x38: {  	[dreg:$0x1] =	wrdreg $0xFFFFFFFF  }
0x39: {  	_ =	task.clear_ibuf [dreg:s7], $0x2FFFF;
	_ =	strace $0x9FFFFFFF  }
0x3a: {  	(tm) =	ssettm $0x7FFFFFFF  }
0x3b: {  	_ =	shalt  }
tec
execute0_lowered:
.L_overlay_start_1:
0x0: {  	(tag) =	ssettag $0x1  }
0x1: {  	s0 =	srdreg.scid  }
0x2: {  	s1 =	sshll.u32 s0, $0x4  }
0x3: {  	s0 =	stileid.u32;
	s1 =	sand.u32 $0x10, s1  }
0x4: {  	s1 =	sor.u32 s0, s1  }
0x5: {  	s6 =	rddreg [dreg:$0x0];
	s4 =	simm.s32 $0x1;
	s2 =	sshll.u32 s1, $0x7  }
0x6: {  	s7 =	simm.s32 $0x2;
	s12 =	simm.s32 $0x0;
	s1 =	ssub.s32 $0x1000, s2  }
0x7: {  	s8 =	simm.s32 $0x8000;
	s13 =	simm.s32 $0x0;
	s3 =	sand.u32 $0xF80, s1  }
0x8: {  	s9 =	simm.s32 $0x0;
	s5 =	sshrl.u32 s1, $0xC;
	p0 =	sne.s32 s3, $0x0  }
.Ltmp0:
0x9: {  	s1 =	rddreg [dreg:$0x2];
	s4 =	simm.s32 @!p0 $0x0;
	(pc) =	sbr.rel .LBB1_1-.Ltmp0, $4  }
0xa: {  	s11 =	simm.s32 $0x0;
	s3 =	rddreg [dreg:$0x1];
	s5 =	sadd.s32 s4, s5  }
0xb: {  	_ =	strace $0x8000004A;
	s4 =	simm.s32 $0x1;
	s5 =	smul.u32 $0xC8, s5  }
0xc: {  	s6 =	sadd.s32 $0xA00, s6;
	s10 =	smov.u32 s2;
	[sflag:s4] =	ssyncpa.u1 $0x0  }
0xd: {  	p0 =	por $0x0, $0x0;
	[sflag:s7] =	ssyncpa.u1 $0x0;
	s7 =	sor.u32 $0x1, s5  }
.LBB1_4:
0xe: {  	s16 =	sshll.u32 s13, $0x3;
	s17 =	sand.u32 $0x78, s13  }
0xf: {  	s30 =	sand.u32 $0x7E00, s13;
	s12 =	sshll.u32 s12, $0xF;
	s16 =	sand.u32 $0xC00, s16  }
0x10: {  	[tilespmem:s15+$0x810 ss:$0x81] =	vst.msk $0xffff, v2;
	s31 =	sand.u32 $0x7, s13;
	s16 =	sor.u32 s17, s16;
	s17 =	sadd.s32 s3, s30  }
0x11: {  	[tilespmem:s15+$0x1020 ss:$0x81] =	vst.msk $0xffff, v0;
	s13 =	sshll.u32 s31, $0x12;
	s12 =	sadd.s32 s12, s17;
	s16 =	sshrl.u32 s16, $0x3  }
0x12: {  	[tilespmem:s15+$0x0 ss:$0x81] =	vst.msk $0xffff, v1;
	s13 =	sor.u32 $0x400, s13;
	s12 =	sadd.s32 s16, s12  }
0x13: {  	[hbm4b:s12+s13] =	stream.strided.scatter [tilespmem:s14], [sflag:$0x2], $0x2000, s8, s13, $0x20;
	[tilespmem:$0x8080] =	vst v63  }
.LBB1_5:
0x14: {  	s14 =	sadd.s32 $0x1, s9  }
0x15: {  	s12 =	sadd.s32 $0x1000, s10;
	s16 =	smov.u32 s10;
	p2 =	sgt.s32 s14, $0xC7  }
0x16: {  	s16 =	smov.u32 @p2 s12  }
0x17: {  	s14 =	simm.s32 @p2 $0x0;
	p2 =	sgt.s32 s16, $0xFFF  }
0x18: {  	s16 =	smov.u32 @p2 s2;
	p2 =	sne.s32 s11, s7  }
.Ltmp1:
0x19: {  	p1 =	slt.u32 s11, $0x2;
	(pc) =	sbr.rel @!p2 .LBB1_6-.Ltmp1, $4  }
0x1a: {  	s15 =	simm.s32 @!p1 $0x2  }
0x1b: {  	s13 =	smov.u32 s10;
	p0 =	por !p0, !p0;
	_ =	swait.ge @!p1 [sflag:s15], $0x2000  }
0x1c: {  	s12 =	smov.u32 s9;
	[sflag:s15] =	ssyncset.done @!p1 $0x0;
	s9 =	smov.u32 s14  }
0x1d: {  	s11 =	sadd.s32 $0x1, s11;
	[sflag:s15] =	ssyncadd.s32 @!p1 $0xFFFFE000;
	s10 =	smov.u32 s16  }
.LBB1_1:
0x1e: {  	p1 =	sge.u32 s11, s5  }
0x1f: {  	s14 =	sand.u32 @!p1 $0x1FFFFFF, s9  }
0x20: {  	s15 =	smulhi.u32 @!p1 $0x147AE15, s14;
	_ =	sdelay $0x1  }
0x21: {  	s15 =	smul.u32 @!p1 $0xC8, s15  }
0x22: {  	s16 =	sxor.u32 @!p1 $0xFFFFFFFF, s11;
	s17 =	smul.u32 @!p1 $0xC80, s10  }
0x23: {  	s31 =	sadd.s32 $0xFFFFFFFF, s11;
	s16 =	sshll.u32 @!p1 s16, $0xD;
	s14 =	ssub.s32 @!p1 s14, s15  }
0x24: {  	s15 =	sand.u32 @!p1 $0x2000, s16;
	s16 =	sadd.s32 @!p1 s6, s17;
	s14 =	sshll.u32 @!p1 s14, $0x4  }
0x25: {  	s17 =	simm.s32 @!p1 $0x6400;
	s14 =	sadd.s32 @!p1 s14, s16;
	s16 =	simm.s32 @!p1 $0x40  }
0x26: {  	[tilespmem:s15], [sflag:$0x1] =	stream.strided.gather @!p1 [hbm4b:s14+s16], $0x2000, s17, s16, $0x38;
	[tilespmem:$0x8080] =	vst v63  }
0x27: {  	p1 =	sge.u32 s31, s5  }
.Ltmp2:
0x28: {  	_ = 	snop;
	(pc) =	sbr.rel @p1 .LBB1_5-.Ltmp2, $1  }
0x29: {  	_ =	sdelay $0x3  }
0x2a: {  	s14 =	simm.s32 $0x1  }
0x2b: {  	_ =	swait.ge [sflag:s4], $0x2000;
	s14 =	simm.s32 @!p0 $0x0  }
0x2c: {  	[sflag:s4] =	ssyncset.done $0x0;
	s15 =	sshll.u32 s14, $0xD  }
0x2d: {  	[sflag:s4] =	ssyncadd.s32 $0xFFFFE000;
	s18 =	sor.u32 $0x20, s15  }
0x2e: {  	s14 =	smul.u32 $0x8100, s14;
	v3 =	vld [tilespmem:s18+$0x10]  }
0x2f: {  	s30 =	sand.u32 $0x1, s11;
	v2 =	vld [tilespmem:s18+$0xFFFFFFF0]  }
0x30: {  	s15 =	smul.u32 $0x8100, s30;
	s14 =	sshrl.u32 s14, $0x2;
	v0 =	vld [tilespmem:s18+$0x0]  }
0x31: {  	v1 =	vld [tilespmem:s18+$0xFFFFFFE0];
	s16 =	sor.u32 $0x4000, s14  }
0x32: {  	s31 =	sshrl.u32 s15, $0x2;
	s15 =	sadd.s32 $0x0, s16  }
0x33: {  	s17 =	simm.s32 $0x4;
	s18 =	sadd.s32 $0x40, s18;
	s14 =	sor.u32 $0x4000, s31;
	[tilespmem:s15+$0x1830 ss:$0x81] =	vst.msk $0xffff, v3  }
.LBB1_3:
0x34: {  	v3 =	vld [tilespmem:s18+$0x10];
	p1 =	sne.s32 s17, $0x1FC;
	[tilespmem:s15+$0x810 ss:$0x81] =	vst.msk $0xffff, v2;
	s19 =	smov.u32 s17;
	s17 =	sadd.s32 $0x4, s17  }
.Ltmp3:
0x35: {  	v2 =	vld [tilespmem:s18+$0xFFFFFFF0];
	[tilespmem:s15+$0x1020 ss:$0x81] =	vst.msk $0xffff, v0;
	(pc) =	sbr.rel @p1 .LBB1_3-.Ltmp3, $4  }
0x36: {  	v0 =	vld [tilespmem:s18+$0x0];
	[tilespmem:s15+$0x0 ss:$0x81] =	vst.msk $0xffff, v1  }
0x37: {  	s15 =	sshra.s32 s19, $0x2;
	v1 =	vld [tilespmem:s18+$0xFFFFFFE0]  }
0x38: {  	s15 =	sadd.s32 s15, s16  }
0x39: {  	s18 =	sadd.s32 $0x40, s18;
	[tilespmem:s15+$0x1830 ss:$0x81] =	vst.msk $0xffff, v3  }
.Ltmp4:
0x3a: {  	_ = 	snop;
	(pc) =	sbr.rel .LBB1_4-.Ltmp4, $1  }
0x3b: {  	_ =	sdelay $0x3  }
.LBB1_6:
0x3c: {  	_ =	sfence.sel $0x180000  }
0x3d: {  	s2 =	simm.s32 $0x1;
	[bflag:$0x0] =	sbarrier.arrive $0xFFFF  }
0x3e: {  	s31 =	simm.s32 $0x2;
	[sflag:s2] =	ssyncpa.u1 $0x1  }
0x3f: {  	[sflag:s31] =	ssyncpa.u1 $0x1  }
0x40: {  	p0 =	sne.s32 s0, $0x0;
	_ =	strace $0x9000004A  }
0x41: {  	s0 =	sadd.s32 @!p0 $0x100000, s1;
	[bflag:$0x2] =	sbarrier.arrive $0xFFFF  }
0x42: {  	[sflag:s0] =	ssyncadd.tile.s32 @!p0 $0x1;
	_ =	shalt  }
.Lfunc_end1:
_tile_overlayer_lowered:
.L_overlay_start_2:
0x43: {  	(tag) =	ssettag $0x2  }
0x44: {  	s0 =	rddreg [dreg:$0x0];
	s2 =	stileid.u32  }
0x45: {  	s1 =	rddreg [dreg:$0x1];
	p0 =	sne.s32 s2, $0x0  }
0x46: {  	s3 =	rddreg [dreg:$0x2];
	[bflag:$0x3] =	sbarrier.arrive $0xFFFF;
	s2 =	simm.s32 @!p0 $0x1C01  }
0x47: {  	[timem:s3], [sflag:s2] =	dma.local @!p0 [hbm:s0], s1  }
0x48: {  	s0 =	simm.s32 @!p0 $0x1  }
0x49: {  	_ =	swait.ge @!p0 [sflag:s0], s1  }
0x4a: {  	s1 =	ssub.s32 @!p0 $0x0, s1;
	[sflag:s0] =	ssyncset.done @!p0 $0x0  }
0x4b: {  	[sflag:s0] =	ssyncadd.s32 @!p0 s1  }
0x4c: {  	[bflag:$0x3] =	sbarrier.arrive $0xFFFF  }
0x4d: {  	_ =	shalt  }

</sc_bundles>
